<compile_context>
chip_gen: v7x
topology: tpu7x:2x2x1
jax: 0.10.2.dev20260603
libtpu: 0.0.44.dev20260713+nightly
codegen_flags: <defaults>
</compile_context>

<pallas_src>
import jax
import jax.numpy as jnp
from jax import lax
from jax.experimental import pallas as pl
from jax.experimental.pallas import tpu as pltpu
from jax.experimental.pallas import tpu_sc as plsc

BATCH = 16384
FIELDS = 26
NUM_CORES = 2
NUM_SUBCORES = 16
NW = NUM_CORES * NUM_SUBCORES
BPW = BATCH // NW
IPW = BPW * FIELDS
LANES = 16
CHUNKS = BPW // LANES


def _sc_kernel(xT_hbm, w_hbm, bias_hbm, out_hbm, idx_v, vals_v, out_v,
               bias_v, csem, gsem):
    c = lax.axis_index("c")
    s = lax.axis_index("s")
    wid = s * NUM_CORES + c
    bbase = wid * BPW
    w1 = w_hbm.at[0]
    idx1 = idx_v.at[0]

    copies = [
        pltpu.async_copy(
            xT_hbm.at[pl.ds(f, 1), pl.ds(bbase, BPW)],
            idx_v.at[pl.ds(0, 1), pl.ds(f * BPW, BPW)],
            csem)
        for f in range(FIELDS)
    ]
    for cp in copies:
        cp.wait()
    gather = pltpu.async_copy(w1.at[idx1], vals_v, gsem)
    pltpu.sync_copy(bias_hbm, bias_v)
    bvec = bias_v[...]
    gather.wait()

    def chunk_body(ci, _):
        off = ci * LANES
        half = FIELDS // 2
        acc0 = bvec + vals_v[pl.ds(half * BPW + off, LANES)]
        acc1 = vals_v[pl.ds((half + 1) * BPW + off, LANES)]
        acc2 = vals_v[pl.ds((half + 2) * BPW + off, LANES)]
        for f in range(half):
            acc0 = acc0 + vals_v[pl.ds(f * BPW + off, LANES)]
            if half + 3 + f < FIELDS:
                acc1 = acc1 + vals_v[pl.ds((half + 3 + f) * BPW + off, LANES)]
        out_v[pl.ds(off, LANES)] = acc0 + acc1 + acc2
        return 0

    lax.fori_loop(0, CHUNKS, chunk_body, 0, unroll=False)

    pltpu.sync_copy(out_v, out_hbm.at[pl.ds(bbase, BPW)])


@jax.jit
def kernel(x, W, bias):
    xT = x.T
    wT = W.T
    bias16 = jnp.broadcast_to(bias, (LANES,))

    mesh = plsc.VectorSubcoreMesh(core_axis_name="c", subcore_axis_name="s")
    run = pl.kernel(
        _sc_kernel,
        mesh=mesh,
        out_type=jax.ShapeDtypeStruct((BATCH,), jnp.float32),
        scratch_types=[
            pltpu.VMEM((1, IPW), jnp.int32),
            pltpu.VMEM((IPW,), jnp.float32),
            pltpu.VMEM((BPW,), jnp.float32),
            pltpu.VMEM((LANES,), jnp.float32),
            pltpu.SemaphoreType.DMA,
            pltpu.SemaphoreType.DMA,
        ],
    )
    return run(xT, wT, bias16).reshape(BATCH, 1)

# --- scband reference (transcript-rebuilt; emitter-appended) ---
"""Pipeline reference for scband-linear-11974368821365 (READ-ONLY COPY).

The authoritative reference and input builder live on the scoring server;
editing this copy changes nothing except your own understanding.
"""

import jax, jax.numpy as jnp
import numpy as np

NUM_FEAT = 1000000
PADDING_IDX = 0
OUTPUT_DIM = 1
BATCH = 16384
NUM_FIELDS = 26


def setup_inputs(seed: int = 0) -> dict:
    key = jax.random.key(seed)
    k_idx, k_w = jax.random.split(key)
    # indices: Long tensor (batch_size, num_fields), values in [0, num_feat]
    x = jax.random.randint(k_idx, (BATCH, NUM_FIELDS), 0, NUM_FEAT, dtype=jnp.int32)
    # Embedding weight (num_feat+1, output_dim), xavier_uniform_ init.
    # NOTE: the torch code calls xavier_uniform_ on the full weight AFTER
    # construction, so the padding_idx row is NOT zero in the forward pass.
    fan_in = NUM_FEAT + 1
    fan_out = OUTPUT_DIM
    bound = float(np.sqrt(6.0 / (fan_in + fan_out)))
    W = jax.random.uniform(k_w, (NUM_FEAT + 1, OUTPUT_DIM), minval=-bound, maxval=bound, dtype=jnp.float32)
    bias = jnp.zeros((OUTPUT_DIM,), dtype=jnp.float32)
    return {"x": x, "W": W, "bias": bias}


def reference(x, W, bias):
    # fc(x): gather rows -> (batch, num_fields, output_dim)
    emb = jnp.take(W, x, axis=0)
    # sum over fields + bias -> (batch, output_dim)
    out = jnp.sum(emb, axis=1) + bias
    return out

if __name__ == "__main__":
    import jax
    _d = setup_inputs()
    print(jax.jit(kernel)(*tuple(_d.values())))

</pallas_src>

<mosaic_0001>
#map = affine_map<(d0, d1) -> (0, 0)>
#map1 = affine_map<(d0, d1) -> (0)>
module attributes {stable_mosaic.version = 14 : i64} {
  func.func @_sc_kernel(%arg0: i32, %arg1: i32, %arg2: memref<26x16384xi32, #tpu.memory_space<hbm>>, %arg3: memref<1x1000001xf32, #tpu.memory_space<hbm>>, %arg4: memref<16xf32, #tpu.memory_space<hbm>>, %arg5: memref<16384xf32, #tpu.memory_space<hbm>>, %arg6: memref<1x13312xi32, #tpu.memory_space<vmem>>, %arg7: memref<13312xf32, #tpu.memory_space<vmem>>, %arg8: memref<512xf32, #tpu.memory_space<vmem>>, %arg9: memref<16xf32, #tpu.memory_space<vmem>>, %arg10: memref<!tpu.dma_semaphore, #tpu.memory_space<semaphore_mem>>, %arg11: memref<!tpu.dma_semaphore, #tpu.memory_space<semaphore_mem>>) attributes {dimension_semantics = [#tpu.dimension_semantics<core_parallel>, #tpu.dimension_semantics<subcore_parallel>], iteration_bounds = array<i64: 2, 16>, scalar_prefetch = 0 : i64, scratch_operands = 6 : i64, tpu.core_type = #tpu.core_type<sc_vector_subcore>, window_params = [{transform_indices = #map}, {transform_indices = #map}, {transform_indices = #map1}, {transform_indices = #map1}]} {
    %mul3A = arith.constant 2 : i32
    %mul3A_0 = arith.muli %arg1, %mul3A : i32
    %add3A = arith.addi %mul3A_0, %arg0 : i32
    %mul3A_1 = arith.constant 512 : i32
    %mul3A_2 = arith.muli %add3A, %mul3A_1 : i32
    %dma_start3A = arith.constant 0 : i32
    %dma_start3A_3 = arith.constant 0 : i32
    %dma_start3A_4 = tpu.memref_slice %arg6[%dma_start3A, %dma_start3A_3] : memref<1x13312xi32, #tpu.memory_space<vmem>> -> memref<1x512xi32, #tpu.memory_space<vmem>>
    %dma_start3A_5 = arith.constant 0 : i32
    %dma_start3A_6 = tpu.memref_slice %arg2[%dma_start3A_5, %mul3A_2] : memref<26x16384xi32, #tpu.memory_space<hbm>> -> memref<1x512xi32, #tpu.memory_space<hbm>>
    %dma_start3A_7 = arith.constant 0 : i32
    %dma_start3A_8 = arith.constant 0 : i32
    %dma_start3A_9 = tpu.memref_slice %arg6[%dma_start3A_7, %dma_start3A_8] : memref<1x13312xi32, #tpu.memory_space<vmem>> -> memref<1x512xi32, #tpu.memory_space<vmem>>
    %dma_start3A_10 = arith.constant 0 : i32
    %dma_start3A_11 = tpu.memref_slice %arg2[%dma_start3A_10, %mul3A_2] : memref<26x16384xi32, #tpu.memory_space<hbm>> -> memref<1x512xi32, #tpu.memory_space<hbm>>
    tpu.enqueue_dma source(%dma_start3A_11 : memref<1x512xi32, #tpu.memory_space<hbm>>) target(%dma_start3A_9 : memref<1x512xi32, #tpu.memory_space<vmem>>) target_semaphore(%arg10 : memref<!tpu.dma_semaphore, #tpu.memory_space<semaphore_mem>>)
    %dma_start3A_12 = arith.constant 0 : i32
    %dma_start3A_13 = arith.constant 512 : i32
    %dma_start3A_14 = tpu.memref_slice %arg6[%dma_start3A_12, %dma_start3A_13] : memref<1x13312xi32, #tpu.memory_space<vmem>> -> memref<1x512xi32, #tpu.memory_space<vmem>>
    %dma_start3A_15 = arith.constant 1 : i32
    %dma_start3A_16 = tpu.memref_slice %arg2[%dma_start3A_15, %mul3A_2] : memref<26x16384xi32, #tpu.memory_space<hbm>> -> memref<1x512xi32, #tpu.memory_space<hbm>>
    %dma_start3A_17 = arith.constant 0 : i32
    %dma_start3A_18 = arith.constant 512 : i32
    %dma_start3A_19 = tpu.memref_slice %arg6[%dma_start3A_17, %dma_start3A_18] : memref<1x13312xi32, #tpu.memory_space<vmem>> -> memref<1x512xi32, #tpu.memory_space<vmem>>
    %dma_start3A_20 = arith.constant 1 : i32
    %dma_start3A_21 = tpu.memref_slice %arg2[%dma_start3A_20, %mul3A_2] : memref<26x16384xi32, #tpu.memory_space<hbm>> -> memref<1x512xi32, #tpu.memory_space<hbm>>
    tpu.enqueue_dma source(%dma_start3A_21 : memref<1x512xi32, #tpu.memory_space<hbm>>) target(%dma_start3A_19 : memref<1x512xi32, #tpu.memory_space<vmem>>) target_semaphore(%arg10 : memref<!tpu.dma_semaphore, #tpu.memory_space<semaphore_mem>>)
    %dma_start3A_22 = arith.constant 0 : i32
    %dma_start3A_23 = arith.constant 1024 : i32
    %dma_start3A_24 = tpu.memref_slice %arg6[%dma_start3A_22, %dma_start3A_23] : memref<1x13312xi32, #tpu.memory_space<vmem>> -> memref<1x512xi32, #tpu.memory_space<vmem>>
    %dma_start3A_25 = arith.constant 2 : i32
    %dma_start3A_26 = tpu.memref_slice %arg2[%dma_start3A_25, %mul3A_2] : memref<26x16384xi32, #tpu.memory_space<hbm>> -> memref<1x512xi32, #tpu.memory_space<hbm>>
    %dma_start3A_27 = arith.constant 0 : i32
    %dma_start3A_28 = arith.constant 1024 : i32
    %dma_start3A_29 = tpu.memref_slice %arg6[%dma_start3A_27, %dma_start3A_28] : memref<1x13312xi32, #tpu.memory_space<vmem>> -> memref<1x512xi32, #tpu.memory_space<vmem>>
    %dma_start3A_30 = arith.constant 2 : i32
    %dma_start3A_31 = tpu.memref_slice %arg2[%dma_start3A_30, %mul3A_2] : memref<26x16384xi32, #tpu.memory_space<hbm>> -> memref<1x512xi32, #tpu.memory_space<hbm>>
    tpu.enqueue_dma source(%dma_start3A_31 : memref<1x512xi32, #tpu.memory_space<hbm>>) target(%dma_start3A_29 : memref<1x512xi32, #tpu.memory_space<vmem>>) target_semaphore(%arg10 : memref<!tpu.dma_semaphore, #tpu.memory_space<semaphore_mem>>)
    %dma_start3A_32 = arith.constant 0 : i32
    %dma_start3A_33 = arith.constant 1536 : i32
    %dma_start3A_34 = tpu.memref_slice %arg6[%dma_start3A_32, %dma_start3A_33] : memref<1x13312xi32, #tpu.memory_space<vmem>> -> memref<1x512xi32, #tpu.memory_space<vmem>>
    %dma_start3A_35 = arith.constant 3 : i32
    %dma_start3A_36 = tpu.memref_slice %arg2[%dma_start3A_35, %mul3A_2] : memref<26x16384xi32, #tpu.memory_space<hbm>> -> memref<1x512xi32, #tpu.memory_space<hbm>>
    %dma_start3A_37 = arith.constant 0 : i32
    %dma_start3A_38 = arith.constant 1536 : i32
    %dma_start3A_39 = tpu.memref_slice %arg6[%dma_start3A_37, %dma_start3A_38] : memref<1x13312xi32, #tpu.memory_space<vmem>> -> memref<1x512xi32, #tpu.memory_space<vmem>>
    %dma_start3A_40 = arith.constant 3 : i32
    %dma_start3A_41 = tpu.memref_slice %arg2[%dma_start3A_40, %mul3A_2] : memref<26x16384xi32, #tpu.memory_space<hbm>> -> memref<1x512xi32, #tpu.memory_space<hbm>>
    tpu.enqueue_dma source(%dma_start3A_41 : memref<1x512xi32, #tpu.memory_space<hbm>>) target(%dma_start3A_39 : memref<1x512xi32, #tpu.memory_space<vmem>>) target_semaphore(%arg10 : memref<!tpu.dma_semaphore, #tpu.memory_space<semaphore_mem>>)
    %dma_start3A_42 = arith.constant 0 : i32
    %dma_start3A_43 = arith.constant 2048 : i32
    %dma_start3A_44 = tpu.memref_slice %arg6[%dma_start3A_42, %dma_start3A_43] : memref<1x13312xi32, #tpu.memory_space<vmem>> -> memref<1x512xi32, #tpu.memory_space<vmem>>
    %dma_start3A_45 = arith.constant 4 : i32
    %dma_start3A_46 = tpu.memref_slice %arg2[%dma_start3A_45, %mul3A_2] : memref<26x16384xi32, #tpu.memory_space<hbm>> -> memref<1x512xi32, #tpu.memory_space<hbm>>
    %dma_start3A_47 = arith.constant 0 : i32
    %dma_start3A_48 = arith.constant 2048 : i32
    %dma_start3A_49 = tpu.memref_slice %arg6[%dma_start3A_47, %dma_start3A_48] : memref<1x13312xi32, #tpu.memory_space<vmem>> -> memref<1x512xi32, #tpu.memory_space<vmem>>
    %dma_start3A_50 = arith.constant 4 : i32
    %dma_start3A_51 = tpu.memref_slice %arg2[%dma_start3A_50, %mul3A_2] : memref<26x16384xi32, #tpu.memory_space<hbm>> -> memref<1x512xi32, #tpu.memory_space<hbm>>
    tpu.enqueue_dma source(%dma_start3A_51 : memref<1x512xi32, #tpu.memory_space<hbm>>) target(%dma_start3A_49 : memref<1x512xi32, #tpu.memory_space<vmem>>) target_semaphore(%arg10 : memref<!tpu.dma_semaphore, #tpu.memory_space<semaphore_mem>>)
    %dma_start3A_52 = arith.constant 0 : i32
    %dma_start3A_53 = arith.constant 2560 : i32
    %dma_start3A_54 = tpu.memref_slice %arg6[%dma_start3A_52, %dma_start3A_53] : memref<1x13312xi32, #tpu.memory_space<vmem>> -> memref<1x512xi32, #tpu.memory_space<vmem>>
    %dma_start3A_55 = arith.constant 5 : i32
    %dma_start3A_56 = tpu.memref_slice %arg2[%dma_start3A_55, %mul3A_2] : memref<26x16384xi32, #tpu.memory_space<hbm>> -> memref<1x512xi32, #tpu.memory_space<hbm>>
    %dma_start3A_57 = arith.constant 0 : i32
    %dma_start3A_58 = arith.constant 2560 : i32
    %dma_start3A_59 = tpu.memref_slice %arg6[%dma_start3A_57, %dma_start3A_58] : memref<1x13312xi32, #tpu.memory_space<vmem>> -> memref<1x512xi32, #tpu.memory_space<vmem>>
    %dma_start3A_60 = arith.constant 5 : i32
    %dma_start3A_61 = tpu.memref_slice %arg2[%dma_start3A_60, %mul3A_2] : memref<26x16384xi32, #tpu.memory_space<hbm>> -> memref<1x512xi32, #tpu.memory_space<hbm>>
    tpu.enqueue_dma source(%dma_start3A_61 : memref<1x512xi32, #tpu.memory_space<hbm>>) target(%dma_start3A_59 : memref<1x512xi32, #tpu.memory_space<vmem>>) target_semaphore(%arg10 : memref<!tpu.dma_semaphore, #tpu.memory_space<semaphore_mem>>)
    %dma_start3A_62 = arith.constant 0 : i32
    %dma_start3A_63 = arith.constant 3072 : i32
    %dma_start3A_64 = tpu.memref_slice %arg6[%dma_start3A_62, %dma_start3A_63] : memref<1x13312xi32, #tpu.memory_space<vmem>> -> memref<1x512xi32, #tpu.memory_space<vmem>>
    %dma_start3A_65 = arith.constant 6 : i32
    %dma_start3A_66 = tpu.memref_slice %arg2[%dma_start3A_65, %mul3A_2] : memref<26x16384xi32, #tpu.memory_space<hbm>> -> memref<1x512xi32, #tpu.memory_space<hbm>>
    %dma_start3A_67 = arith.constant 0 : i32
    %dma_start3A_68 = arith.constant 3072 : i32
    %dma_start3A_69 = tpu.memref_slice %arg6[%dma_start3A_67, %dma_start3A_68] : memref<1x13312xi32, #tpu.memory_space<vmem>> -> memref<1x512xi32, #tpu.memory_space<vmem>>
    %dma_start3A_70 = arith.constant 6 : i32
    %dma_start3A_71 = tpu.memref_slice %arg2[%dma_start3A_70, %mul3A_2] : memref<26x16384xi32, #tpu.memory_space<hbm>> -> memref<1x512xi32, #tpu.memory_space<hbm>>
    tpu.enqueue_dma source(%dma_start3A_71 : memref<1x512xi32, #tpu.memory_space<hbm>>) target(%dma_start3A_69 : memref<1x512xi32, #tpu.memory_space<vmem>>) target_semaphore(%arg10 : memref<!tpu.dma_semaphore, #tpu.memory_space<semaphore_mem>>)
    %dma_start3A_72 = arith.constant 0 : i32
    %dma_start3A_73 = arith.constant 3584 : i32
    %dma_start3A_74 = tpu.memref_slice %arg6[%dma_start3A_72, %dma_start3A_73] : memref<1x13312xi32, #tpu.memory_space<vmem>> -> memref<1x512xi32, #tpu.memory_space<vmem>>
    %dma_start3A_75 = arith.constant 7 : i32
    %dma_start3A_76 = tpu.memref_slice %arg2[%dma_start3A_75, %mul3A_2] : memref<26x16384xi32, #tpu.memory_space<hbm>> -> memref<1x512xi32, #tpu.memory_space<hbm>>
    %dma_start3A_77 = arith.constant 0 : i32
    %dma_start3A_78 = arith.constant 3584 : i32
    %dma_start3A_79 = tpu.memref_slice %arg6[%dma_start3A_77, %dma_start3A_78] : memref<1x13312xi32, #tpu.memory_space<vmem>> -> memref<1x512xi32, #tpu.memory_space<vmem>>
    %dma_start3A_80 = arith.constant 7 : i32
    %dma_start3A_81 = tpu.memref_slice %arg2[%dma_start3A_80, %mul3A_2] : memref<26x16384xi32, #tpu.memory_space<hbm>> -> memref<1x512xi32, #tpu.memory_space<hbm>>
    tpu.enqueue_dma source(%dma_start3A_81 : memref<1x512xi32, #tpu.memory_space<hbm>>) target(%dma_start3A_79 : memref<1x512xi32, #tpu.memory_space<vmem>>) target_semaphore(%arg10 : memref<!tpu.dma_semaphore, #tpu.memory_space<semaphore_mem>>)
    %dma_start3A_82 = arith.constant 0 : i32
    %dma_start3A_83 = arith.constant 4096 : i32
    %dma_start3A_84 = tpu.memref_slice %arg6[%dma_start3A_82, %dma_start3A_83] : memref<1x13312xi32, #tpu.memory_space<vmem>> -> memref<1x512xi32, #tpu.memory_space<vmem>>
    %dma_start3A_85 = arith.constant 8 : i32
    %dma_start3A_86 = tpu.memref_slice %arg2[%dma_start3A_85, %mul3A_2] : memref<26x16384xi32, #tpu.memory_space<hbm>> -> memref<1x512xi32, #tpu.memory_space<hbm>>
    %dma_start3A_87 = arith.constant 0 : i32
    %dma_start3A_88 = arith.constant 4096 : i32
    %dma_start3A_89 = tpu.memref_slice %arg6[%dma_start3A_87, %dma_start3A_88] : memref<1x13312xi32, #tpu.memory_space<vmem>> -> memref<1x512xi32, #tpu.memory_space<vmem>>
    %dma_start3A_90 = arith.constant 8 : i32
    %dma_start3A_91 = tpu.memref_slice %arg2[%dma_start3A_90, %mul3A_2] : memref<26x16384xi32, #tpu.memory_space<hbm>> -> memref<1x512xi32, #tpu.memory_space<hbm>>
    tpu.enqueue_dma source(%dma_start3A_91 : memref<1x512xi32, #tpu.memory_space<hbm>>) target(%dma_start3A_89 : memref<1x512xi32, #tpu.memory_space<vmem>>) target_semaphore(%arg10 : memref<!tpu.dma_semaphore, #tpu.memory_space<semaphore_mem>>)
    %dma_start3A_92 = arith.constant 0 : i32
    %dma_start3A_93 = arith.constant 4608 : i32
    %dma_start3A_94 = tpu.memref_slice %arg6[%dma_start3A_92, %dma_start3A_93] : memref<1x13312xi32, #tpu.memory_space<vmem>> -> memref<1x512xi32, #tpu.memory_space<vmem>>
    %dma_start3A_95 = arith.constant 9 : i32
    %dma_start3A_96 = tpu.memref_slice %arg2[%dma_start3A_95, %mul3A_2] : memref<26x16384xi32, #tpu.memory_space<hbm>> -> memref<1x512xi32, #tpu.memory_space<hbm>>
    %dma_start3A_97 = arith.constant 0 : i32
    %dma_start3A_98 = arith.constant 4608 : i32
    %dma_start3A_99 = tpu.memref_slice %arg6[%dma_start3A_97, %dma_start3A_98] : memref<1x13312xi32, #tpu.memory_space<vmem>> -> memref<1x512xi32, #tpu.memory_space<vmem>>
    %dma_start3A_100 = arith.constant 9 : i32
    %dma_start3A_101 = tpu.memref_slice %arg2[%dma_start3A_100, %mul3A_2] : memref<26x16384xi32, #tpu.memory_space<hbm>> -> memref<1x512xi32, #tpu.memory_space<hbm>>
    tpu.enqueue_dma source(%dma_start3A_101 : memref<1x512xi32, #tpu.memory_space<hbm>>) target(%dma_start3A_99 : memref<1x512xi32, #tpu.memory_space<vmem>>) target_semaphore(%arg10 : memref<!tpu.dma_semaphore, #tpu.memory_space<semaphore_mem>>)
    %dma_start3A_102 = arith.constant 0 : i32
    %dma_start3A_103 = arith.constant 5120 : i32
    %dma_start3A_104 = tpu.memref_slice %arg6[%dma_start3A_102, %dma_start3A_103] : memref<1x13312xi32, #tpu.memory_space<vmem>> -> memref<1x512xi32, #tpu.memory_space<vmem>>
    %dma_start3A_105 = arith.constant 10 : i32
    %dma_start3A_106 = tpu.memref_slice %arg2[%dma_start3A_105, %mul3A_2] : memref<26x16384xi32, #tpu.memory_space<hbm>> -> memref<1x512xi32, #tpu.memory_space<hbm>>
    %dma_start3A_107 = arith.constant 0 : i32
    %dma_start3A_108 = arith.constant 5120 : i32
    %dma_start3A_109 = tpu.memref_slice %arg6[%dma_start3A_107, %dma_start3A_108] : memref<1x13312xi32, #tpu.memory_space<vmem>> -> memref<1x512xi32, #tpu.memory_space<vmem>>
    %dma_start3A_110 = arith.constant 10 : i32
    %dma_start3A_111 = tpu.memref_slice %arg2[%dma_start3A_110, %mul3A_2] : memref<26x16384xi32, #tpu.memory_space<hbm>> -> memref<1x512xi32, #tpu.memory_space<hbm>>
    tpu.enqueue_dma source(%dma_start3A_111 : memref<1x512xi32, #tpu.memory_space<hbm>>) target(%dma_start3A_109 : memref<1x512xi32, #tpu.memory_space<vmem>>) target_semaphore(%arg10 : memref<!tpu.dma_semaphore, #tpu.memory_space<semaphore_mem>>)
    %dma_start3A_112 = arith.constant 0 : i32
    %dma_start3A_113 = arith.constant 5632 : i32
    %dma_start3A_114 = tpu.memref_slice %arg6[%dma_start3A_112, %dma_start3A_113] : memref<1x13312xi32, #tpu.memory_space<vmem>> -> memref<1x512xi32, #tpu.memory_space<vmem>>
    %dma_start3A_115 = arith.constant 11 : i32
    %dma_start3A_116 = tpu.memref_slice %arg2[%dma_start3A_115, %mul3A_2] : memref<26x16384xi32, #tpu.memory_space<hbm>> -> memref<1x512xi32, #tpu.memory_space<hbm>>
    %dma_start3A_117 = arith.constant 0 : i32
    %dma_start3A_118 = arith.constant 5632 : i32
    %dma_start3A_119 = tpu.memref_slice %arg6[%dma_start3A_117, %dma_start3A_118] : memref<1x13312xi32, #tpu.memory_space<vmem>> -> memref<1x512xi32, #tpu.memory_space<vmem>>
    %dma_start3A_120 = arith.constant 11 : i32
    %dma_start3A_121 = tpu.memref_slice %arg2[%dma_start3A_120, %mul3A_2] : memref<26x16384xi32, #tpu.memory_space<hbm>> -> memref<1x512xi32, #tpu.memory_space<hbm>>
    tpu.enqueue_dma source(%dma_start3A_121 : memref<1x512xi32, #tpu.memory_space<hbm>>) target(%dma_start3A_119 : memref<1x512xi32, #tpu.memory_space<vmem>>) target_semaphore(%arg10 : memref<!tpu.dma_semaphore, #tpu.memory_space<semaphore_mem>>)
    %dma_start3A_122 = arith.constant 0 : i32
    %dma_start3A_123 = arith.constant 6144 : i32
    %dma_start3A_124 = tpu.memref_slice %arg6[%dma_start3A_122, %dma_start3A_123] : memref<1x13312xi32, #tpu.memory_space<vmem>> -> memref<1x512xi32, #tpu.memory_space<vmem>>
    %dma_start3A_125 = arith.constant 12 : i32
    %dma_start3A_126 = tpu.memref_slice %arg2[%dma_start3A_125, %mul3A_2] : memref<26x16384xi32, #tpu.memory_space<hbm>> -> memref<1x512xi32, #tpu.memory_space<hbm>>
    %dma_start3A_127 = arith.constant 0 : i32
    %dma_start3A_128 = arith.constant 6144 : i32
    %dma_start3A_129 = tpu.memref_slice %arg6[%dma_start3A_127, %dma_start3A_128] : memref<1x13312xi32, #tpu.memory_space<vmem>> -> memref<1x512xi32, #tpu.memory_space<vmem>>
    %dma_start3A_130 = arith.constant 12 : i32
    %dma_start3A_131 = tpu.memref_slice %arg2[%dma_start3A_130, %mul3A_2] : memref<26x16384xi32, #tpu.memory_space<hbm>> -> memref<1x512xi32, #tpu.memory_space<hbm>>
    tpu.enqueue_dma source(%dma_start3A_131 : memref<1x512xi32, #tpu.memory_space<hbm>>) target(%dma_start3A_129 : memref<1x512xi32, #tpu.memory_space<vmem>>) target_semaphore(%arg10 : memref<!tpu.dma_semaphore, #tpu.memory_space<semaphore_mem>>)
    %dma_start3A_132 = arith.constant 0 : i32
    %dma_start3A_133 = arith.constant 6656 : i32
    %dma_start3A_134 = tpu.memref_slice %arg6[%dma_start3A_132, %dma_start3A_133] : memref<1x13312xi32, #tpu.memory_space<vmem>> -> memref<1x512xi32, #tpu.memory_space<vmem>>
    %dma_start3A_135 = arith.constant 13 : i32
    %dma_start3A_136 = tpu.memref_slice %arg2[%dma_start3A_135, %mul3A_2] : memref<26x16384xi32, #tpu.memory_space<hbm>> -> memref<1x512xi32, #tpu.memory_space<hbm>>
    %dma_start3A_137 = arith.constant 0 : i32
    %dma_start3A_138 = arith.constant 6656 : i32
    %dma_start3A_139 = tpu.memref_slice %arg6[%dma_start3A_137, %dma_start3A_138] : memref<1x13312xi32, #tpu.memory_space<vmem>> -> memref<1x512xi32, #tpu.memory_space<vmem>>
    %dma_start3A_140 = arith.constant 13 : i32
    %dma_start3A_141 = tpu.memref_slice %arg2[%dma_start3A_140, %mul3A_2] : memref<26x16384xi32, #tpu.memory_space<hbm>> -> memref<1x512xi32, #tpu.memory_space<hbm>>
    tpu.enqueue_dma source(%dma_start3A_141 : memref<1x512xi32, #tpu.memory_space<hbm>>) target(%dma_start3A_139 : memref<1x512xi32, #tpu.memory_space<vmem>>) target_semaphore(%arg10 : memref<!tpu.dma_semaphore, #tpu.memory_space<semaphore_mem>>)
    %dma_start3A_142 = arith.constant 0 : i32
    %dma_start3A_143 = arith.constant 7168 : i32
    %dma_start3A_144 = tpu.memref_slice %arg6[%dma_start3A_142, %dma_start3A_143] : memref<1x13312xi32, #tpu.memory_space<vmem>> -> memref<1x512xi32, #tpu.memory_space<vmem>>
    %dma_start3A_145 = arith.constant 14 : i32
    %dma_start3A_146 = tpu.memref_slice %arg2[%dma_start3A_145, %mul3A_2] : memref<26x16384xi32, #tpu.memory_space<hbm>> -> memref<1x512xi32, #tpu.memory_space<hbm>>
    %dma_start3A_147 = arith.constant 0 : i32
    %dma_start3A_148 = arith.constant 7168 : i32
    %dma_start3A_149 = tpu.memref_slice %arg6[%dma_start3A_147, %dma_start3A_148] : memref<1x13312xi32, #tpu.memory_space<vmem>> -> memref<1x512xi32, #tpu.memory_space<vmem>>
    %dma_start3A_150 = arith.constant 14 : i32
    %dma_start3A_151 = tpu.memref_slice %arg2[%dma_start3A_150, %mul3A_2] : memref<26x16384xi32, #tpu.memory_space<hbm>> -> memref<1x512xi32, #tpu.memory_space<hbm>>
    tpu.enqueue_dma source(%dma_start3A_151 : memref<1x512xi32, #tpu.memory_space<hbm>>) target(%dma_start3A_149 : memref<1x512xi32, #tpu.memory_space<vmem>>) target_semaphore(%arg10 : memref<!tpu.dma_semaphore, #tpu.memory_space<semaphore_mem>>)
    %dma_start3A_152 = arith.constant 0 : i32
    %dma_start3A_153 = arith.constant 7680 : i32
    %dma_start3A_154 = tpu.memref_slice %arg6[%dma_start3A_152, %dma_start3A_153] : memref<1x13312xi32, #tpu.memory_space<vmem>> -> memref<1x512xi32, #tpu.memory_space<vmem>>
    %dma_start3A_155 = arith.constant 15 : i32
    %dma_start3A_156 = tpu.memref_slice %arg2[%dma_start3A_155, %mul3A_2] : memref<26x16384xi32, #tpu.memory_space<hbm>> -> memref<1x512xi32, #tpu.memory_space<hbm>>
    %dma_start3A_157 = arith.constant 0 : i32
    %dma_start3A_158 = arith.constant 7680 : i32
    %dma_start3A_159 = tpu.memref_slice %arg6[%dma_start3A_157, %dma_start3A_158] : memref<1x13312xi32, #tpu.memory_space<vmem>> -> memref<1x512xi32, #tpu.memory_space<vmem>>
    %dma_start3A_160 = arith.constant 15 : i32
    %dma_start3A_161 = tpu.memref_slice %arg2[%dma_start3A_160, %mul3A_2] : memref<26x16384xi32, #tpu.memory_space<hbm>> -> memref<1x512xi32, #tpu.memory_space<hbm>>
    tpu.enqueue_dma source(%dma_start3A_161 : memref<1x512xi32, #tpu.memory_space<hbm>>) target(%dma_start3A_159 : memref<1x512xi32, #tpu.memory_space<vmem>>) target_semaphore(%arg10 : memref<!tpu.dma_semaphore, #tpu.memory_space<semaphore_mem>>)
    %dma_start3A_162 = arith.constant 0 : i32
    %dma_start3A_163 = arith.constant 8192 : i32
    %dma_start3A_164 = tpu.memref_slice %arg6[%dma_start3A_162, %dma_start3A_163] : memref<1x13312xi32, #tpu.memory_space<vmem>> -> memref<1x512xi32, #tpu.memory_space<vmem>>
    %dma_start3A_165 = arith.constant 16 : i32
    %dma_start3A_166 = tpu.memref_slice %arg2[%dma_start3A_165, %mul3A_2] : memref<26x16384xi32, #tpu.memory_space<hbm>> -> memref<1x512xi32, #tpu.memory_space<hbm>>
    %dma_start3A_167 = arith.constant 0 : i32
    %dma_start3A_168 = arith.constant 8192 : i32
    %dma_start3A_169 = tpu.memref_slice %arg6[%dma_start3A_167, %dma_start3A_168] : memref<1x13312xi32, #tpu.memory_space<vmem>> -> memref<1x512xi32, #tpu.memory_space<vmem>>
    %dma_start3A_170 = arith.constant 16 : i32
    %dma_start3A_171 = tpu.memref_slice %arg2[%dma_start3A_170, %mul3A_2] : memref<26x16384xi32, #tpu.memory_space<hbm>> -> memref<1x512xi32, #tpu.memory_space<hbm>>
    tpu.enqueue_dma source(%dma_start3A_171 : memref<1x512xi32, #tpu.memory_space<hbm>>) target(%dma_start3A_169 : memref<1x512xi32, #tpu.memory_space<vmem>>) target_semaphore(%arg10 : memref<!tpu.dma_semaphore, #tpu.memory_space<semaphore_mem>>)
    %dma_start3A_172 = arith.constant 0 : i32
    %dma_start3A_173 = arith.constant 8704 : i32
    %dma_start3A_174 = tpu.memref_slice %arg6[%dma_start3A_172, %dma_start3A_173] : memref<1x13312xi32, #tpu.memory_space<vmem>> -> memref<1x512xi32, #tpu.memory_space<vmem>>
    %dma_start3A_175 = arith.constant 17 : i32
    %dma_start3A_176 = tpu.memref_slice %arg2[%dma_start3A_175, %mul3A_2] : memref<26x16384xi32, #tpu.memory_space<hbm>> -> memref<1x512xi32, #tpu.memory_space<hbm>>
    %dma_start3A_177 = arith.constant 0 : i32
    %dma_start3A_178 = arith.constant 8704 : i32
    %dma_start3A_179 = tpu.memref_slice %arg6[%dma_start3A_177, %dma_start3A_178] : memref<1x13312xi32, #tpu.memory_space<vmem>> -> memref<1x512xi32, #tpu.memory_space<vmem>>
    %dma_start3A_180 = arith.constant 17 : i32
    %dma_start3A_181 = tpu.memref_slice %arg2[%dma_start3A_180, %mul3A_2] : memref<26x16384xi32, #tpu.memory_space<hbm>> -> memref<1x512xi32, #tpu.memory_space<hbm>>
    tpu.enqueue_dma source(%dma_start3A_181 : memref<1x512xi32, #tpu.memory_space<hbm>>) target(%dma_start3A_179 : memref<1x512xi32, #tpu.memory_space<vmem>>) target_semaphore(%arg10 : memref<!tpu.dma_semaphore, #tpu.memory_space<semaphore_mem>>)
    %dma_start3A_182 = arith.constant 0 : i32
    %dma_start3A_183 = arith.constant 9216 : i32
    %dma_start3A_184 = tpu.memref_slice %arg6[%dma_start3A_182, %dma_start3A_183] : memref<1x13312xi32, #tpu.memory_space<vmem>> -> memref<1x512xi32, #tpu.memory_space<vmem>>
    %dma_start3A_185 = arith.constant 18 : i32
    %dma_start3A_186 = tpu.memref_slice %arg2[%dma_start3A_185, %mul3A_2] : memref<26x16384xi32, #tpu.memory_space<hbm>> -> memref<1x512xi32, #tpu.memory_space<hbm>>
    %dma_start3A_187 = arith.constant 0 : i32
    %dma_start3A_188 = arith.constant 9216 : i32
    %dma_start3A_189 = tpu.memref_slice %arg6[%dma_start3A_187, %dma_start3A_188] : memref<1x13312xi32, #tpu.memory_space<vmem>> -> memref<1x512xi32, #tpu.memory_space<vmem>>
    %dma_start3A_190 = arith.constant 18 : i32
    %dma_start3A_191 = tpu.memref_slice %arg2[%dma_start3A_190, %mul3A_2] : memref<26x16384xi32, #tpu.memory_space<hbm>> -> memref<1x512xi32, #tpu.memory_space<hbm>>
    tpu.enqueue_dma source(%dma_start3A_191 : memref<1x512xi32, #tpu.memory_space<hbm>>) target(%dma_start3A_189 : memref<1x512xi32, #tpu.memory_space<vmem>>) target_semaphore(%arg10 : memref<!tpu.dma_semaphore, #tpu.memory_space<semaphore_mem>>)
    %dma_start3A_192 = arith.constant 0 : i32
    %dma_start3A_193 = arith.constant 9728 : i32
    %dma_start3A_194 = tpu.memref_slice %arg6[%dma_start3A_192, %dma_start3A_193] : memref<1x13312xi32, #tpu.memory_space<vmem>> -> memref<1x512xi32, #tpu.memory_space<vmem>>
    %dma_start3A_195 = arith.constant 19 : i32
    %dma_start3A_196 = tpu.memref_slice %arg2[%dma_start3A_195, %mul3A_2] : memref<26x16384xi32, #tpu.memory_space<hbm>> -> memref<1x512xi32, #tpu.memory_space<hbm>>
    %dma_start3A_197 = arith.constant 0 : i32
    %dma_start3A_198 = arith.constant 9728 : i32
    %dma_start3A_199 = tpu.memref_slice %arg6[%dma_start3A_197, %dma_start3A_198] : memref<1x13312xi32, #tpu.memory_space<vmem>> -> memref<1x512xi32, #tpu.memory_space<vmem>>
    %dma_start3A_200 = arith.constant 19 : i32
    %dma_start3A_201 = tpu.memref_slice %arg2[%dma_start3A_200, %mul3A_2] : memref<26x16384xi32, #tpu.memory_space<hbm>> -> memref<1x512xi32, #tpu.memory_space<hbm>>
    tpu.enqueue_dma source(%dma_start3A_201 : memref<1x512xi32, #tpu.memory_space<hbm>>) target(%dma_start3A_199 : memref<1x512xi32, #tpu.memory_space<vmem>>) target_semaphore(%arg10 : memref<!tpu.dma_semaphore, #tpu.memory_space<semaphore_mem>>)
    %dma_start3A_202 = arith.constant 0 : i32
    %dma_start3A_203 = arith.constant 10240 : i32
    %dma_start3A_204 = tpu.memref_slice %arg6[%dma_start3A_202, %dma_start3A_203] : memref<1x13312xi32, #tpu.memory_space<vmem>> -> memref<1x512xi32, #tpu.memory_space<vmem>>
    %dma_start3A_205 = arith.constant 20 : i32
    %dma_start3A_206 = tpu.memref_slice %arg2[%dma_start3A_205, %mul3A_2] : memref<26x16384xi32, #tpu.memory_space<hbm>> -> memref<1x512xi32, #tpu.memory_space<hbm>>
    %dma_start3A_207 = arith.constant 0 : i32
    %dma_start3A_208 = arith.constant 10240 : i32
    %dma_start3A_209 = tpu.memref_slice %arg6[%dma_start3A_207, %dma_start3A_208] : memref<1x13312xi32, #tpu.memory_space<vmem>> -> memref<1x512xi32, #tpu.memory_space<vmem>>
    %dma_start3A_210 = arith.constant 20 : i32
    %dma_start3A_211 = tpu.memref_slice %arg2[%dma_start3A_210, %mul3A_2] : memref<26x16384xi32, #tpu.memory_space<hbm>> -> memref<1x512xi32, #tpu.memory_space<hbm>>
    tpu.enqueue_dma source(%dma_start3A_211 : memref<1x512xi32, #tpu.memory_space<hbm>>) target(%dma_start3A_209 : memref<1x512xi32, #tpu.memory_space<vmem>>) target_semaphore(%arg10 : memref<!tpu.dma_semaphore, #tpu.memory_space<semaphore_mem>>)
    %dma_start3A_212 = arith.constant 0 : i32
    %dma_start3A_213 = arith.constant 10752 : i32
    %dma_start3A_214 = tpu.memref_slice %arg6[%dma_start3A_212, %dma_start3A_213] : memref<1x13312xi32, #tpu.memory_space<vmem>> -> memref<1x512xi32, #tpu.memory_space<vmem>>
    %dma_start3A_215 = arith.constant 21 : i32
    %dma_start3A_216 = tpu.memref_slice %arg2[%dma_start3A_215, %mul3A_2] : memref<26x16384xi32, #tpu.memory_space<hbm>> -> memref<1x512xi32, #tpu.memory_space<hbm>>
    %dma_start3A_217 = arith.constant 0 : i32
    %dma_start3A_218 = arith.constant 10752 : i32
    %dma_start3A_219 = tpu.memref_slice %arg6[%dma_start3A_217, %dma_start3A_218] : memref<1x13312xi32, #tpu.memory_space<vmem>> -> memref<1x512xi32, #tpu.memory_space<vmem>>
    %dma_start3A_220 = arith.constant 21 : i32
    %dma_start3A_221 = tpu.memref_slice %arg2[%dma_start3A_220, %mul3A_2] : memref<26x16384xi32, #tpu.memory_space<hbm>> -> memref<1x512xi32, #tpu.memory_space<hbm>>
    tpu.enqueue_dma source(%dma_start3A_221 : memref<1x512xi32, #tpu.memory_space<hbm>>) target(%dma_start3A_219 : memref<1x512xi32, #tpu.memory_space<vmem>>) target_semaphore(%arg10 : memref<!tpu.dma_semaphore, #tpu.memory_space<semaphore_mem>>)
    %dma_start3A_222 = arith.constant 0 : i32
    %dma_start3A_223 = arith.constant 11264 : i32
    %dma_start3A_224 = tpu.memref_slice %arg6[%dma_start3A_222, %dma_start3A_223] : memref<1x13312xi32, #tpu.memory_space<vmem>> -> memref<1x512xi32, #tpu.memory_space<vmem>>
    %dma_start3A_225 = arith.constant 22 : i32
    %dma_start3A_226 = tpu.memref_slice %arg2[%dma_start3A_225, %mul3A_2] : memref<26x16384xi32, #tpu.memory_space<hbm>> -> memref<1x512xi32, #tpu.memory_space<hbm>>
    %dma_start3A_227 = arith.constant 0 : i32
    %dma_start3A_228 = arith.constant 11264 : i32
    %dma_start3A_229 = tpu.memref_slice %arg6[%dma_start3A_227, %dma_start3A_228] : memref<1x13312xi32, #tpu.memory_space<vmem>> -> memref<1x512xi32, #tpu.memory_space<vmem>>
    %dma_start3A_230 = arith.constant 22 : i32
    %dma_start3A_231 = tpu.memref_slice %arg2[%dma_start3A_230, %mul3A_2] : memref<26x16384xi32, #tpu.memory_space<hbm>> -> memref<1x512xi32, #tpu.memory_space<hbm>>
    tpu.enqueue_dma source(%dma_start3A_231 : memref<1x512xi32, #tpu.memory_space<hbm>>) target(%dma_start3A_229 : memref<1x512xi32, #tpu.memory_space<vmem>>) target_semaphore(%arg10 : memref<!tpu.dma_semaphore, #tpu.memory_space<semaphore_mem>>)
    %dma_start3A_232 = arith.constant 0 : i32
    %dma_start3A_233 = arith.constant 11776 : i32
    %dma_start3A_234 = tpu.memref_slice %arg6[%dma_start3A_232, %dma_start3A_233] : memref<1x13312xi32, #tpu.memory_space<vmem>> -> memref<1x512xi32, #tpu.memory_space<vmem>>
    %dma_start3A_235 = arith.constant 23 : i32
    %dma_start3A_236 = tpu.memref_slice %arg2[%dma_start3A_235, %mul3A_2] : memref<26x16384xi32, #tpu.memory_space<hbm>> -> memref<1x512xi32, #tpu.memory_space<hbm>>
    %dma_start3A_237 = arith.constant 0 : i32
    %dma_start3A_238 = arith.constant 11776 : i32
    %dma_start3A_239 = tpu.memref_slice %arg6[%dma_start3A_237, %dma_start3A_238] : memref<1x13312xi32, #tpu.memory_space<vmem>> -> memref<1x512xi32, #tpu.memory_space<vmem>>
    %dma_start3A_240 = arith.constant 23 : i32
    %dma_start3A_241 = tpu.memref_slice %arg2[%dma_start3A_240, %mul3A_2] : memref<26x16384xi32, #tpu.memory_space<hbm>> -> memref<1x512xi32, #tpu.memory_space<hbm>>
    tpu.enqueue_dma source(%dma_start3A_241 : memref<1x512xi32, #tpu.memory_space<hbm>>) target(%dma_start3A_239 : memref<1x512xi32, #tpu.memory_space<vmem>>) target_semaphore(%arg10 : memref<!tpu.dma_semaphore, #tpu.memory_space<semaphore_mem>>)
    %dma_start3A_242 = arith.constant 0 : i32
    %dma_start3A_243 = arith.constant 12288 : i32
    %dma_start3A_244 = tpu.memref_slice %arg6[%dma_start3A_242, %dma_start3A_243] : memref<1x13312xi32, #tpu.memory_space<vmem>> -> memref<1x512xi32, #tpu.memory_space<vmem>>
    %dma_start3A_245 = arith.constant 24 : i32
    %dma_start3A_246 = tpu.memref_slice %arg2[%dma_start3A_245, %mul3A_2] : memref<26x16384xi32, #tpu.memory_space<hbm>> -> memref<1x512xi32, #tpu.memory_space<hbm>>
    %dma_start3A_247 = arith.constant 0 : i32
    %dma_start3A_248 = arith.constant 12288 : i32
    %dma_start3A_249 = tpu.memref_slice %arg6[%dma_start3A_247, %dma_start3A_248] : memref<1x13312xi32, #tpu.memory_space<vmem>> -> memref<1x512xi32, #tpu.memory_space<vmem>>
    %dma_start3A_250 = arith.constant 24 : i32
    %dma_start3A_251 = tpu.memref_slice %arg2[%dma_start3A_250, %mul3A_2] : memref<26x16384xi32, #tpu.memory_space<hbm>> -> memref<1x512xi32, #tpu.memory_space<hbm>>
    tpu.enqueue_dma source(%dma_start3A_251 : memref<1x512xi32, #tpu.memory_space<hbm>>) target(%dma_start3A_249 : memref<1x512xi32, #tpu.memory_space<vmem>>) target_semaphore(%arg10 : memref<!tpu.dma_semaphore, #tpu.memory_space<semaphore_mem>>)
    %dma_start3A_252 = arith.constant 0 : i32
    %dma_start3A_253 = arith.constant 12800 : i32
    %dma_start3A_254 = tpu.memref_slice %arg6[%dma_start3A_252, %dma_start3A_253] : memref<1x13312xi32, #tpu.memory_space<vmem>> -> memref<1x512xi32, #tpu.memory_space<vmem>>
    %dma_start3A_255 = arith.constant 25 : i32
    %dma_start3A_256 = tpu.memref_slice %arg2[%dma_start3A_255, %mul3A_2] : memref<26x16384xi32, #tpu.memory_space<hbm>> -> memref<1x512xi32, #tpu.memory_space<hbm>>
    %dma_start3A_257 = arith.constant 0 : i32
    %dma_start3A_258 = arith.constant 12800 : i32
    %dma_start3A_259 = tpu.memref_slice %arg6[%dma_start3A_257, %dma_start3A_258] : memref<1x13312xi32, #tpu.memory_space<vmem>> -> memref<1x512xi32, #tpu.memory_space<vmem>>
    %dma_start3A_260 = arith.constant 25 : i32
    %dma_start3A_261 = tpu.memref_slice %arg2[%dma_start3A_260, %mul3A_2] : memref<26x16384xi32, #tpu.memory_space<hbm>> -> memref<1x512xi32, #tpu.memory_space<hbm>>
    tpu.enqueue_dma source(%dma_start3A_261 : memref<1x512xi32, #tpu.memory_space<hbm>>) target(%dma_start3A_259 : memref<1x512xi32, #tpu.memory_space<vmem>>) target_semaphore(%arg10 : memref<!tpu.dma_semaphore, #tpu.memory_space<semaphore_mem>>)
    %dma_wait3A = arith.constant 0 : i32
    %dma_wait3A_262 = arith.constant 0 : i32
    %dma_wait3A_263 = tpu.memref_slice %arg6[%dma_wait3A, %dma_wait3A_262] : memref<1x13312xi32, #tpu.memory_space<vmem>> -> memref<1x512xi32, #tpu.memory_space<vmem>>
    %dma_wait3A_264 = arith.constant 0 : i32
    %dma_wait3A_265 = tpu.memref_slice %arg2[%dma_wait3A_264, %mul3A_2] : memref<26x16384xi32, #tpu.memory_space<hbm>> -> memref<1x512xi32, #tpu.memory_space<hbm>>
    %dma_wait3A_266 = arith.constant 0 : i32
    %dma_wait3A_267 = arith.constant 0 : i32
    %dma_wait3A_268 = tpu.memref_slice %arg6[%dma_wait3A_266, %dma_wait3A_267] : memref<1x13312xi32, #tpu.memory_space<vmem>> -> memref<1x512xi32, #tpu.memory_space<vmem>>
    %dma_wait3A_269 = arith.constant 0 : i32
    %dma_wait3A_270 = tpu.memref_slice %arg2[%dma_wait3A_269, %mul3A_2] : memref<26x16384xi32, #tpu.memory_space<hbm>> -> memref<1x512xi32, #tpu.memory_space<hbm>>
    tpu.wait_dma2 semaphore(%arg10 : memref<!tpu.dma_semaphore, #tpu.memory_space<semaphore_mem>>) src(%dma_wait3A_270 : memref<1x512xi32, #tpu.memory_space<hbm>>) dst(%dma_wait3A_268 : memref<1x512xi32, #tpu.memory_space<vmem>>)
    %dma_wait3A_271 = arith.constant 0 : i32
    %dma_wait3A_272 = arith.constant 512 : i32
    %dma_wait3A_273 = tpu.memref_slice %arg6[%dma_wait3A_271, %dma_wait3A_272] : memref<1x13312xi32, #tpu.memory_space<vmem>> -> memref<1x512xi32, #tpu.memory_space<vmem>>
    %dma_wait3A_274 = arith.constant 1 : i32
    %dma_wait3A_275 = tpu.memref_slice %arg2[%dma_wait3A_274, %mul3A_2] : memref<26x16384xi32, #tpu.memory_space<hbm>> -> memref<1x512xi32, #tpu.memory_space<hbm>>
    %dma_wait3A_276 = arith.constant 0 : i32
    %dma_wait3A_277 = arith.constant 512 : i32
    %dma_wait3A_278 = tpu.memref_slice %arg6[%dma_wait3A_276, %dma_wait3A_277] : memref<1x13312xi32, #tpu.memory_space<vmem>> -> memref<1x512xi32, #tpu.memory_space<vmem>>
    %dma_wait3A_279 = arith.constant 1 : i32
    %dma_wait3A_280 = tpu.memref_slice %arg2[%dma_wait3A_279, %mul3A_2] : memref<26x16384xi32, #tpu.memory_space<hbm>> -> memref<1x512xi32, #tpu.memory_space<hbm>>
    tpu.wait_dma2 semaphore(%arg10 : memref<!tpu.dma_semaphore, #tpu.memory_space<semaphore_mem>>) src(%dma_wait3A_280 : memref<1x512xi32, #tpu.memory_space<hbm>>) dst(%dma_wait3A_278 : memref<1x512xi32, #tpu.memory_space<vmem>>)
    %dma_wait3A_281 = arith.constant 0 : i32
    %dma_wait3A_282 = arith.constant 1024 : i32
    %dma_wait3A_283 = tpu.memref_slice %arg6[%dma_wait3A_281, %dma_wait3A_282] : memref<1x13312xi32, #tpu.memory_space<vmem>> -> memref<1x512xi32, #tpu.memory_space<vmem>>
    %dma_wait3A_284 = arith.constant 2 : i32
    %dma_wait3A_285 = tpu.memref_slice %arg2[%dma_wait3A_284, %mul3A_2] : memref<26x16384xi32, #tpu.memory_space<hbm>> -> memref<1x512xi32, #tpu.memory_space<hbm>>
    %dma_wait3A_286 = arith.constant 0 : i32
    %dma_wait3A_287 = arith.constant 1024 : i32
    %dma_wait3A_288 = tpu.memref_slice %arg6[%dma_wait3A_286, %dma_wait3A_287] : memref<1x13312xi32, #tpu.memory_space<vmem>> -> memref<1x512xi32, #tpu.memory_space<vmem>>
    %dma_wait3A_289 = arith.constant 2 : i32
    %dma_wait3A_290 = tpu.memref_slice %arg2[%dma_wait3A_289, %mul3A_2] : memref<26x16384xi32, #tpu.memory_space<hbm>> -> memref<1x512xi32, #tpu.memory_space<hbm>>
    tpu.wait_dma2 semaphore(%arg10 : memref<!tpu.dma_semaphore, #tpu.memory_space<semaphore_mem>>) src(%dma_wait3A_290 : memref<1x512xi32, #tpu.memory_space<hbm>>) dst(%dma_wait3A_288 : memref<1x512xi32, #tpu.memory_space<vmem>>)
    %dma_wait3A_291 = arith.constant 0 : i32
    %dma_wait3A_292 = arith.constant 1536 : i32
    %dma_wait3A_293 = tpu.memref_slice %arg6[%dma_wait3A_291, %dma_wait3A_292] : memref<1x13312xi32, #tpu.memory_space<vmem>> -> memref<1x512xi32, #tpu.memory_space<vmem>>
    %dma_wait3A_294 = arith.constant 3 : i32
    %dma_wait3A_295 = tpu.memref_slice %arg2[%dma_wait3A_294, %mul3A_2] : memref<26x16384xi32, #tpu.memory_space<hbm>> -> memref<1x512xi32, #tpu.memory_space<hbm>>
    %dma_wait3A_296 = arith.constant 0 : i32
    %dma_wait3A_297 = arith.constant 1536 : i32
    %dma_wait3A_298 = tpu.memref_slice %arg6[%dma_wait3A_296, %dma_wait3A_297] : memref<1x13312xi32, #tpu.memory_space<vmem>> -> memref<1x512xi32, #tpu.memory_space<vmem>>
    %dma_wait3A_299 = arith.constant 3 : i32
    %dma_wait3A_300 = tpu.memref_slice %arg2[%dma_wait3A_299, %mul3A_2] : memref<26x16384xi32, #tpu.memory_space<hbm>> -> memref<1x512xi32, #tpu.memory_space<hbm>>
    tpu.wait_dma2 semaphore(%arg10 : memref<!tpu.dma_semaphore, #tpu.memory_space<semaphore_mem>>) src(%dma_wait3A_300 : memref<1x512xi32, #tpu.memory_space<hbm>>) dst(%dma_wait3A_298 : memref<1x512xi32, #tpu.memory_space<vmem>>)
    %dma_wait3A_301 = arith.constant 0 : i32
    %dma_wait3A_302 = arith.constant 2048 : i32
    %dma_wait3A_303 = tpu.memref_slice %arg6[%dma_wait3A_301, %dma_wait3A_302] : memref<1x13312xi32, #tpu.memory_space<vmem>> -> memref<1x512xi32, #tpu.memory_space<vmem>>
    %dma_wait3A_304 = arith.constant 4 : i32
    %dma_wait3A_305 = tpu.memref_slice %arg2[%dma_wait3A_304, %mul3A_2] : memref<26x16384xi32, #tpu.memory_space<hbm>> -> memref<1x512xi32, #tpu.memory_space<hbm>>
    %dma_wait3A_306 = arith.constant 0 : i32
    %dma_wait3A_307 = arith.constant 2048 : i32
    %dma_wait3A_308 = tpu.memref_slice %arg6[%dma_wait3A_306, %dma_wait3A_307] : memref<1x13312xi32, #tpu.memory_space<vmem>> -> memref<1x512xi32, #tpu.memory_space<vmem>>
    %dma_wait3A_309 = arith.constant 4 : i32
    %dma_wait3A_310 = tpu.memref_slice %arg2[%dma_wait3A_309, %mul3A_2] : memref<26x16384xi32, #tpu.memory_space<hbm>> -> memref<1x512xi32, #tpu.memory_space<hbm>>
    tpu.wait_dma2 semaphore(%arg10 : memref<!tpu.dma_semaphore, #tpu.memory_space<semaphore_mem>>) src(%dma_wait3A_310 : memref<1x512xi32, #tpu.memory_space<hbm>>) dst(%dma_wait3A_308 : memref<1x512xi32, #tpu.memory_space<vmem>>)
    %dma_wait3A_311 = arith.constant 0 : i32
    %dma_wait3A_312 = arith.constant 2560 : i32
    %dma_wait3A_313 = tpu.memref_slice %arg6[%dma_wait3A_311, %dma_wait3A_312] : memref<1x13312xi32, #tpu.memory_space<vmem>> -> memref<1x512xi32, #tpu.memory_space<vmem>>
    %dma_wait3A_314 = arith.constant 5 : i32
    %dma_wait3A_315 = tpu.memref_slice %arg2[%dma_wait3A_314, %mul3A_2] : memref<26x16384xi32, #tpu.memory_space<hbm>> -> memref<1x512xi32, #tpu.memory_space<hbm>>
    %dma_wait3A_316 = arith.constant 0 : i32
    %dma_wait3A_317 = arith.constant 2560 : i32
    %dma_wait3A_318 = tpu.memref_slice %arg6[%dma_wait3A_316, %dma_wait3A_317] : memref<1x13312xi32, #tpu.memory_space<vmem>> -> memref<1x512xi32, #tpu.memory_space<vmem>>
    %dma_wait3A_319 = arith.constant 5 : i32
    %dma_wait3A_320 = tpu.memref_slice %arg2[%dma_wait3A_319, %mul3A_2] : memref<26x16384xi32, #tpu.memory_space<hbm>> -> memref<1x512xi32, #tpu.memory_space<hbm>>
    tpu.wait_dma2 semaphore(%arg10 : memref<!tpu.dma_semaphore, #tpu.memory_space<semaphore_mem>>) src(%dma_wait3A_320 : memref<1x512xi32, #tpu.memory_space<hbm>>) dst(%dma_wait3A_318 : memref<1x512xi32, #tpu.memory_space<vmem>>)
    %dma_wait3A_321 = arith.constant 0 : i32
    %dma_wait3A_322 = arith.constant 3072 : i32
    %dma_wait3A_323 = tpu.memref_slice %arg6[%dma_wait3A_321, %dma_wait3A_322] : memref<1x13312xi32, #tpu.memory_space<vmem>> -> memref<1x512xi32, #tpu.memory_space<vmem>>
    %dma_wait3A_324 = arith.constant 6 : i32
    %dma_wait3A_325 = tpu.memref_slice %arg2[%dma_wait3A_324, %mul3A_2] : memref<26x16384xi32, #tpu.memory_space<hbm>> -> memref<1x512xi32, #tpu.memory_space<hbm>>
    %dma_wait3A_326 = arith.constant 0 : i32
    %dma_wait3A_327 = arith.constant 3072 : i32
    %dma_wait3A_328 = tpu.memref_slice %arg6[%dma_wait3A_326, %dma_wait3A_327] : memref<1x13312xi32, #tpu.memory_space<vmem>> -> memref<1x512xi32, #tpu.memory_space<vmem>>
    %dma_wait3A_329 = arith.constant 6 : i32
    %dma_wait3A_330 = tpu.memref_slice %arg2[%dma_wait3A_329, %mul3A_2] : memref<26x16384xi32, #tpu.memory_space<hbm>> -> memref<1x512xi32, #tpu.memory_space<hbm>>
    tpu.wait_dma2 semaphore(%arg10 : memref<!tpu.dma_semaphore, #tpu.memory_space<semaphore_mem>>) src(%dma_wait3A_330 : memref<1x512xi32, #tpu.memory_space<hbm>>) dst(%dma_wait3A_328 : memref<1x512xi32, #tpu.memory_space<vmem>>)
    %dma_wait3A_331 = arith.constant 0 : i32
    %dma_wait3A_332 = arith.constant 3584 : i32
    %dma_wait3A_333 = tpu.memref_slice %arg6[%dma_wait3A_331, %dma_wait3A_332] : memref<1x13312xi32, #tpu.memory_space<vmem>> -> memref<1x512xi32, #tpu.memory_space<vmem>>
    %dma_wait3A_334 = arith.constant 7 : i32
    %dma_wait3A_335 = tpu.memref_slice %arg2[%dma_wait3A_334, %mul3A_2] : memref<26x16384xi32, #tpu.memory_space<hbm>> -> memref<1x512xi32, #tpu.memory_space<hbm>>
    %dma_wait3A_336 = arith.constant 0 : i32
    %dma_wait3A_337 = arith.constant 3584 : i32
    %dma_wait3A_338 = tpu.memref_slice %arg6[%dma_wait3A_336, %dma_wait3A_337] : memref<1x13312xi32, #tpu.memory_space<vmem>> -> memref<1x512xi32, #tpu.memory_space<vmem>>
    %dma_wait3A_339 = arith.constant 7 : i32
    %dma_wait3A_340 = tpu.memref_slice %arg2[%dma_wait3A_339, %mul3A_2] : memref<26x16384xi32, #tpu.memory_space<hbm>> -> memref<1x512xi32, #tpu.memory_space<hbm>>
    tpu.wait_dma2 semaphore(%arg10 : memref<!tpu.dma_semaphore, #tpu.memory_space<semaphore_mem>>) src(%dma_wait3A_340 : memref<1x512xi32, #tpu.memory_space<hbm>>) dst(%dma_wait3A_338 : memref<1x512xi32, #tpu.memory_space<vmem>>)
    %dma_wait3A_341 = arith.constant 0 : i32
    %dma_wait3A_342 = arith.constant 4096 : i32
    %dma_wait3A_343 = tpu.memref_slice %arg6[%dma_wait3A_341, %dma_wait3A_342] : memref<1x13312xi32, #tpu.memory_space<vmem>> -> memref<1x512xi32, #tpu.memory_space<vmem>>
    %dma_wait3A_344 = arith.constant 8 : i32
    %dma_wait3A_345 = tpu.memref_slice %arg2[%dma_wait3A_344, %mul3A_2] : memref<26x16384xi32, #tpu.memory_space<hbm>> -> memref<1x512xi32, #tpu.memory_space<hbm>>
    %dma_wait3A_346 = arith.constant 0 : i32
    %dma_wait3A_347 = arith.constant 4096 : i32
    %dma_wait3A_348 = tpu.memref_slice %arg6[%dma_wait3A_346, %dma_wait3A_347] : memref<1x13312xi32, #tpu.memory_space<vmem>> -> memref<1x512xi32, #tpu.memory_space<vmem>>
    %dma_wait3A_349 = arith.constant 8 : i32
    %dma_wait3A_350 = tpu.memref_slice %arg2[%dma_wait3A_349, %mul3A_2] : memref<26x16384xi32, #tpu.memory_space<hbm>> -> memref<1x512xi32, #tpu.memory_space<hbm>>
    tpu.wait_dma2 semaphore(%arg10 : memref<!tpu.dma_semaphore, #tpu.memory_space<semaphore_mem>>) src(%dma_wait3A_350 : memref<1x512xi32, #tpu.memory_space<hbm>>) dst(%dma_wait3A_348 : memref<1x512xi32, #tpu.memory_space<vmem>>)
    %dma_wait3A_351 = arith.constant 0 : i32
    %dma_wait3A_352 = arith.constant 4608 : i32
    %dma_wait3A_353 = tpu.memref_slice %arg6[%dma_wait3A_351, %dma_wait3A_352] : memref<1x13312xi32, #tpu.memory_space<vmem>> -> memref<1x512xi32, #tpu.memory_space<vmem>>
    %dma_wait3A_354 = arith.constant 9 : i32
    %dma_wait3A_355 = tpu.memref_slice %arg2[%dma_wait3A_354, %mul3A_2] : memref<26x16384xi32, #tpu.memory_space<hbm>> -> memref<1x512xi32, #tpu.memory_space<hbm>>
    %dma_wait3A_356 = arith.constant 0 : i32
    %dma_wait3A_357 = arith.constant 4608 : i32
    %dma_wait3A_358 = tpu.memref_slice %arg6[%dma_wait3A_356, %dma_wait3A_357] : memref<1x13312xi32, #tpu.memory_space<vmem>> -> memref<1x512xi32, #tpu.memory_space<vmem>>
    %dma_wait3A_359 = arith.constant 9 : i32
    %dma_wait3A_360 = tpu.memref_slice %arg2[%dma_wait3A_359, %mul3A_2] : memref<26x16384xi32, #tpu.memory_space<hbm>> -> memref<1x512xi32, #tpu.memory_space<hbm>>
    tpu.wait_dma2 semaphore(%arg10 : memref<!tpu.dma_semaphore, #tpu.memory_space<semaphore_mem>>) src(%dma_wait3A_360 : memref<1x512xi32, #tpu.memory_space<hbm>>) dst(%dma_wait3A_358 : memref<1x512xi32, #tpu.memory_space<vmem>>)
    %dma_wait3A_361 = arith.constant 0 : i32
    %dma_wait3A_362 = arith.constant 5120 : i32
    %dma_wait3A_363 = tpu.memref_slice %arg6[%dma_wait3A_361, %dma_wait3A_362] : memref<1x13312xi32, #tpu.memory_space<vmem>> -> memref<1x512xi32, #tpu.memory_space<vmem>>
    %dma_wait3A_364 = arith.constant 10 : i32
    %dma_wait3A_365 = tpu.memref_slice %arg2[%dma_wait3A_364, %mul3A_2] : memref<26x16384xi32, #tpu.memory_space<hbm>> -> memref<1x512xi32, #tpu.memory_space<hbm>>
    %dma_wait3A_366 = arith.constant 0 : i32
    %dma_wait3A_367 = arith.constant 5120 : i32
    %dma_wait3A_368 = tpu.memref_slice %arg6[%dma_wait3A_366, %dma_wait3A_367] : memref<1x13312xi32, #tpu.memory_space<vmem>> -> memref<1x512xi32, #tpu.memory_space<vmem>>
    %dma_wait3A_369 = arith.constant 10 : i32
    %dma_wait3A_370 = tpu.memref_slice %arg2[%dma_wait3A_369, %mul3A_2] : memref<26x16384xi32, #tpu.memory_space<hbm>> -> memref<1x512xi32, #tpu.memory_space<hbm>>
    tpu.wait_dma2 semaphore(%arg10 : memref<!tpu.dma_semaphore, #tpu.memory_space<semaphore_mem>>) src(%dma_wait3A_370 : memref<1x512xi32, #tpu.memory_space<hbm>>) dst(%dma_wait3A_368 : memref<1x512xi32, #tpu.memory_space<vmem>>)
    %dma_wait3A_371 = arith.constant 0 : i32
    %dma_wait3A_372 = arith.constant 5632 : i32
    %dma_wait3A_373 = tpu.memref_slice %arg6[%dma_wait3A_371, %dma_wait3A_372] : memref<1x13312xi32, #tpu.memory_space<vmem>> -> memref<1x512xi32, #tpu.memory_space<vmem>>
    %dma_wait3A_374 = arith.constant 11 : i32
    %dma_wait3A_375 = tpu.memref_slice %arg2[%dma_wait3A_374, %mul3A_2] : memref<26x16384xi32, #tpu.memory_space<hbm>> -> memref<1x512xi32, #tpu.memory_space<hbm>>
    %dma_wait3A_376 = arith.constant 0 : i32
    %dma_wait3A_377 = arith.constant 5632 : i32
    %dma_wait3A_378 = tpu.memref_slice %arg6[%dma_wait3A_376, %dma_wait3A_377] : memref<1x13312xi32, #tpu.memory_space<vmem>> -> memref<1x512xi32, #tpu.memory_space<vmem>>
    %dma_wait3A_379 = arith.constant 11 : i32
    %dma_wait3A_380 = tpu.memref_slice %arg2[%dma_wait3A_379, %mul3A_2] : memref<26x16384xi32, #tpu.memory_space<hbm>> -> memref<1x512xi32, #tpu.memory_space<hbm>>
    tpu.wait_dma2 semaphore(%arg10 : memref<!tpu.dma_semaphore, #tpu.memory_space<semaphore_mem>>) src(%dma_wait3A_380 : memref<1x512xi32, #tpu.memory_space<hbm>>) dst(%dma_wait3A_378 : memref<1x512xi32, #tpu.memory_space<vmem>>)
    %dma_wait3A_381 = arith.constant 0 : i32
    %dma_wait3A_382 = arith.constant 6144 : i32
    %dma_wait3A_383 = tpu.memref_slice %arg6[%dma_wait3A_381, %dma_wait3A_382] : memref<1x13312xi32, #tpu.memory_space<vmem>> -> memref<1x512xi32, #tpu.memory_space<vmem>>
    %dma_wait3A_384 = arith.constant 12 : i32
    %dma_wait3A_385 = tpu.memref_slice %arg2[%dma_wait3A_384, %mul3A_2] : memref<26x16384xi32, #tpu.memory_space<hbm>> -> memref<1x512xi32, #tpu.memory_space<hbm>>
    %dma_wait3A_386 = arith.constant 0 : i32
    %dma_wait3A_387 = arith.constant 6144 : i32
    %dma_wait3A_388 = tpu.memref_slice %arg6[%dma_wait3A_386, %dma_wait3A_387] : memref<1x13312xi32, #tpu.memory_space<vmem>> -> memref<1x512xi32, #tpu.memory_space<vmem>>
    %dma_wait3A_389 = arith.constant 12 : i32
    %dma_wait3A_390 = tpu.memref_slice %arg2[%dma_wait3A_389, %mul3A_2] : memref<26x16384xi32, #tpu.memory_space<hbm>> -> memref<1x512xi32, #tpu.memory_space<hbm>>
    tpu.wait_dma2 semaphore(%arg10 : memref<!tpu.dma_semaphore, #tpu.memory_space<semaphore_mem>>) src(%dma_wait3A_390 : memref<1x512xi32, #tpu.memory_space<hbm>>) dst(%dma_wait3A_388 : memref<1x512xi32, #tpu.memory_space<vmem>>)
    %dma_wait3A_391 = arith.constant 0 : i32
    %dma_wait3A_392 = arith.constant 6656 : i32
    %dma_wait3A_393 = tpu.memref_slice %arg6[%dma_wait3A_391, %dma_wait3A_392] : memref<1x13312xi32, #tpu.memory_space<vmem>> -> memref<1x512xi32, #tpu.memory_space<vmem>>
    %dma_wait3A_394 = arith.constant 13 : i32
    %dma_wait3A_395 = tpu.memref_slice %arg2[%dma_wait3A_394, %mul3A_2] : memref<26x16384xi32, #tpu.memory_space<hbm>> -> memref<1x512xi32, #tpu.memory_space<hbm>>
    %dma_wait3A_396 = arith.constant 0 : i32
    %dma_wait3A_397 = arith.constant 6656 : i32
    %dma_wait3A_398 = tpu.memref_slice %arg6[%dma_wait3A_396, %dma_wait3A_397] : memref<1x13312xi32, #tpu.memory_space<vmem>> -> memref<1x512xi32, #tpu.memory_space<vmem>>
    %dma_wait3A_399 = arith.constant 13 : i32
    %dma_wait3A_400 = tpu.memref_slice %arg2[%dma_wait3A_399, %mul3A_2] : memref<26x16384xi32, #tpu.memory_space<hbm>> -> memref<1x512xi32, #tpu.memory_space<hbm>>
    tpu.wait_dma2 semaphore(%arg10 : memref<!tpu.dma_semaphore, #tpu.memory_space<semaphore_mem>>) src(%dma_wait3A_400 : memref<1x512xi32, #tpu.memory_space<hbm>>) dst(%dma_wait3A_398 : memref<1x512xi32, #tpu.memory_space<vmem>>)
    %dma_wait3A_401 = arith.constant 0 : i32
    %dma_wait3A_402 = arith.constant 7168 : i32
    %dma_wait3A_403 = tpu.memref_slice %arg6[%dma_wait3A_401, %dma_wait3A_402] : memref<1x13312xi32, #tpu.memory_space<vmem>> -> memref<1x512xi32, #tpu.memory_space<vmem>>
    %dma_wait3A_404 = arith.constant 14 : i32
    %dma_wait3A_405 = tpu.memref_slice %arg2[%dma_wait3A_404, %mul3A_2] : memref<26x16384xi32, #tpu.memory_space<hbm>> -> memref<1x512xi32, #tpu.memory_space<hbm>>
    %dma_wait3A_406 = arith.constant 0 : i32
    %dma_wait3A_407 = arith.constant 7168 : i32
    %dma_wait3A_408 = tpu.memref_slice %arg6[%dma_wait3A_406, %dma_wait3A_407] : memref<1x13312xi32, #tpu.memory_space<vmem>> -> memref<1x512xi32, #tpu.memory_space<vmem>>
    %dma_wait3A_409 = arith.constant 14 : i32
    %dma_wait3A_410 = tpu.memref_slice %arg2[%dma_wait3A_409, %mul3A_2] : memref<26x16384xi32, #tpu.memory_space<hbm>> -> memref<1x512xi32, #tpu.memory_space<hbm>>
    tpu.wait_dma2 semaphore(%arg10 : memref<!tpu.dma_semaphore, #tpu.memory_space<semaphore_mem>>) src(%dma_wait3A_410 : memref<1x512xi32, #tpu.memory_space<hbm>>) dst(%dma_wait3A_408 : memref<1x512xi32, #tpu.memory_space<vmem>>)
    %dma_wait3A_411 = arith.constant 0 : i32
    %dma_wait3A_412 = arith.constant 7680 : i32
    %dma_wait3A_413 = tpu.memref_slice %arg6[%dma_wait3A_411, %dma_wait3A_412] : memref<1x13312xi32, #tpu.memory_space<vmem>> -> memref<1x512xi32, #tpu.memory_space<vmem>>
    %dma_wait3A_414 = arith.constant 15 : i32
    %dma_wait3A_415 = tpu.memref_slice %arg2[%dma_wait3A_414, %mul3A_2] : memref<26x16384xi32, #tpu.memory_space<hbm>> -> memref<1x512xi32, #tpu.memory_space<hbm>>
    %dma_wait3A_416 = arith.constant 0 : i32
    %dma_wait3A_417 = arith.constant 7680 : i32
    %dma_wait3A_418 = tpu.memref_slice %arg6[%dma_wait3A_416, %dma_wait3A_417] : memref<1x13312xi32, #tpu.memory_space<vmem>> -> memref<1x512xi32, #tpu.memory_space<vmem>>
    %dma_wait3A_419 = arith.constant 15 : i32
    %dma_wait3A_420 = tpu.memref_slice %arg2[%dma_wait3A_419, %mul3A_2] : memref<26x16384xi32, #tpu.memory_space<hbm>> -> memref<1x512xi32, #tpu.memory_space<hbm>>
    tpu.wait_dma2 semaphore(%arg10 : memref<!tpu.dma_semaphore, #tpu.memory_space<semaphore_mem>>) src(%dma_wait3A_420 : memref<1x512xi32, #tpu.memory_space<hbm>>) dst(%dma_wait3A_418 : memref<1x512xi32, #tpu.memory_space<vmem>>)
    %dma_wait3A_421 = arith.constant 0 : i32
    %dma_wait3A_422 = arith.constant 8192 : i32
    %dma_wait3A_423 = tpu.memref_slice %arg6[%dma_wait3A_421, %dma_wait3A_422] : memref<1x13312xi32, #tpu.memory_space<vmem>> -> memref<1x512xi32, #tpu.memory_space<vmem>>
    %dma_wait3A_424 = arith.constant 16 : i32
    %dma_wait3A_425 = tpu.memref_slice %arg2[%dma_wait3A_424, %mul3A_2] : memref<26x16384xi32, #tpu.memory_space<hbm>> -> memref<1x512xi32, #tpu.memory_space<hbm>>
    %dma_wait3A_426 = arith.constant 0 : i32
    %dma_wait3A_427 = arith.constant 8192 : i32
    %dma_wait3A_428 = tpu.memref_slice %arg6[%dma_wait3A_426, %dma_wait3A_427] : memref<1x13312xi32, #tpu.memory_space<vmem>> -> memref<1x512xi32, #tpu.memory_space<vmem>>
    %dma_wait3A_429 = arith.constant 16 : i32
    %dma_wait3A_430 = tpu.memref_slice %arg2[%dma_wait3A_429, %mul3A_2] : memref<26x16384xi32, #tpu.memory_space<hbm>> -> memref<1x512xi32, #tpu.memory_space<hbm>>
    tpu.wait_dma2 semaphore(%arg10 : memref<!tpu.dma_semaphore, #tpu.memory_space<semaphore_mem>>) src(%dma_wait3A_430 : memref<1x512xi32, #tpu.memory_space<hbm>>) dst(%dma_wait3A_428 : memref<1x512xi32, #tpu.memory_space<vmem>>)
    %dma_wait3A_431 = arith.constant 0 : i32
    %dma_wait3A_432 = arith.constant 8704 : i32
    %dma_wait3A_433 = tpu.memref_slice %arg6[%dma_wait3A_431, %dma_wait3A_432] : memref<1x13312xi32, #tpu.memory_space<vmem>> -> memref<1x512xi32, #tpu.memory_space<vmem>>
    %dma_wait3A_434 = arith.constant 17 : i32
    %dma_wait3A_435 = tpu.memref_slice %arg2[%dma_wait3A_434, %mul3A_2] : memref<26x16384xi32, #tpu.memory_space<hbm>> -> memref<1x512xi32, #tpu.memory_space<hbm>>
    %dma_wait3A_436 = arith.constant 0 : i32
    %dma_wait3A_437 = arith.constant 8704 : i32
    %dma_wait3A_438 = tpu.memref_slice %arg6[%dma_wait3A_436, %dma_wait3A_437] : memref<1x13312xi32, #tpu.memory_space<vmem>> -> memref<1x512xi32, #tpu.memory_space<vmem>>
    %dma_wait3A_439 = arith.constant 17 : i32
    %dma_wait3A_440 = tpu.memref_slice %arg2[%dma_wait3A_439, %mul3A_2] : memref<26x16384xi32, #tpu.memory_space<hbm>> -> memref<1x512xi32, #tpu.memory_space<hbm>>
    tpu.wait_dma2 semaphore(%arg10 : memref<!tpu.dma_semaphore, #tpu.memory_space<semaphore_mem>>) src(%dma_wait3A_440 : memref<1x512xi32, #tpu.memory_space<hbm>>) dst(%dma_wait3A_438 : memref<1x512xi32, #tpu.memory_space<vmem>>)
    %dma_wait3A_441 = arith.constant 0 : i32
    %dma_wait3A_442 = arith.constant 9216 : i32
    %dma_wait3A_443 = tpu.memref_slice %arg6[%dma_wait3A_441, %dma_wait3A_442] : memref<1x13312xi32, #tpu.memory_space<vmem>> -> memref<1x512xi32, #tpu.memory_space<vmem>>
    %dma_wait3A_444 = arith.constant 18 : i32
    %dma_wait3A_445 = tpu.memref_slice %arg2[%dma_wait3A_444, %mul3A_2] : memref<26x16384xi32, #tpu.memory_space<hbm>> -> memref<1x512xi32, #tpu.memory_space<hbm>>
    %dma_wait3A_446 = arith.constant 0 : i32
    %dma_wait3A_447 = arith.constant 9216 : i32
    %dma_wait3A_448 = tpu.memref_slice %arg6[%dma_wait3A_446, %dma_wait3A_447] : memref<1x13312xi32, #tpu.memory_space<vmem>> -> memref<1x512xi32, #tpu.memory_space<vmem>>
    %dma_wait3A_449 = arith.constant 18 : i32
    %dma_wait3A_450 = tpu.memref_slice %arg2[%dma_wait3A_449, %mul3A_2] : memref<26x16384xi32, #tpu.memory_space<hbm>> -> memref<1x512xi32, #tpu.memory_space<hbm>>
    tpu.wait_dma2 semaphore(%arg10 : memref<!tpu.dma_semaphore, #tpu.memory_space<semaphore_mem>>) src(%dma_wait3A_450 : memref<1x512xi32, #tpu.memory_space<hbm>>) dst(%dma_wait3A_448 : memref<1x512xi32, #tpu.memory_space<vmem>>)
    %dma_wait3A_451 = arith.constant 0 : i32
    %dma_wait3A_452 = arith.constant 9728 : i32
    %dma_wait3A_453 = tpu.memref_slice %arg6[%dma_wait3A_451, %dma_wait3A_452] : memref<1x13312xi32, #tpu.memory_space<vmem>> -> memref<1x512xi32, #tpu.memory_space<vmem>>
    %dma_wait3A_454 = arith.constant 19 : i32
    %dma_wait3A_455 = tpu.memref_slice %arg2[%dma_wait3A_454, %mul3A_2] : memref<26x16384xi32, #tpu.memory_space<hbm>> -> memref<1x512xi32, #tpu.memory_space<hbm>>
    %dma_wait3A_456 = arith.constant 0 : i32
    %dma_wait3A_457 = arith.constant 9728 : i32
    %dma_wait3A_458 = tpu.memref_slice %arg6[%dma_wait3A_456, %dma_wait3A_457] : memref<1x13312xi32, #tpu.memory_space<vmem>> -> memref<1x512xi32, #tpu.memory_space<vmem>>
    %dma_wait3A_459 = arith.constant 19 : i32
    %dma_wait3A_460 = tpu.memref_slice %arg2[%dma_wait3A_459, %mul3A_2] : memref<26x16384xi32, #tpu.memory_space<hbm>> -> memref<1x512xi32, #tpu.memory_space<hbm>>
    tpu.wait_dma2 semaphore(%arg10 : memref<!tpu.dma_semaphore, #tpu.memory_space<semaphore_mem>>) src(%dma_wait3A_460 : memref<1x512xi32, #tpu.memory_space<hbm>>) dst(%dma_wait3A_458 : memref<1x512xi32, #tpu.memory_space<vmem>>)
    %dma_wait3A_461 = arith.constant 0 : i32
    %dma_wait3A_462 = arith.constant 10240 : i32
    %dma_wait3A_463 = tpu.memref_slice %arg6[%dma_wait3A_461, %dma_wait3A_462] : memref<1x13312xi32, #tpu.memory_space<vmem>> -> memref<1x512xi32, #tpu.memory_space<vmem>>
    %dma_wait3A_464 = arith.constant 20 : i32
    %dma_wait3A_465 = tpu.memref_slice %arg2[%dma_wait3A_464, %mul3A_2] : memref<26x16384xi32, #tpu.memory_space<hbm>> -> memref<1x512xi32, #tpu.memory_space<hbm>>
    %dma_wait3A_466 = arith.constant 0 : i32
    %dma_wait3A_467 = arith.constant 10240 : i32
    %dma_wait3A_468 = tpu.memref_slice %arg6[%dma_wait3A_466, %dma_wait3A_467] : memref<1x13312xi32, #tpu.memory_space<vmem>> -> memref<1x512xi32, #tpu.memory_space<vmem>>
    %dma_wait3A_469 = arith.constant 20 : i32
    %dma_wait3A_470 = tpu.memref_slice %arg2[%dma_wait3A_469, %mul3A_2] : memref<26x16384xi32, #tpu.memory_space<hbm>> -> memref<1x512xi32, #tpu.memory_space<hbm>>
    tpu.wait_dma2 semaphore(%arg10 : memref<!tpu.dma_semaphore, #tpu.memory_space<semaphore_mem>>) src(%dma_wait3A_470 : memref<1x512xi32, #tpu.memory_space<hbm>>) dst(%dma_wait3A_468 : memref<1x512xi32, #tpu.memory_space<vmem>>)
    %dma_wait3A_471 = arith.constant 0 : i32
    %dma_wait3A_472 = arith.constant 10752 : i32
    %dma_wait3A_473 = tpu.memref_slice %arg6[%dma_wait3A_471, %dma_wait3A_472] : memref<1x13312xi32, #tpu.memory_space<vmem>> -> memref<1x512xi32, #tpu.memory_space<vmem>>
    %dma_wait3A_474 = arith.constant 21 : i32
    %dma_wait3A_475 = tpu.memref_slice %arg2[%dma_wait3A_474, %mul3A_2] : memref<26x16384xi32, #tpu.memory_space<hbm>> -> memref<1x512xi32, #tpu.memory_space<hbm>>
    %dma_wait3A_476 = arith.constant 0 : i32
    %dma_wait3A_477 = arith.constant 10752 : i32
    %dma_wait3A_478 = tpu.memref_slice %arg6[%dma_wait3A_476, %dma_wait3A_477] : memref<1x13312xi32, #tpu.memory_space<vmem>> -> memref<1x512xi32, #tpu.memory_space<vmem>>
    %dma_wait3A_479 = arith.constant 21 : i32
    %dma_wait3A_480 = tpu.memref_slice %arg2[%dma_wait3A_479, %mul3A_2] : memref<26x16384xi32, #tpu.memory_space<hbm>> -> memref<1x512xi32, #tpu.memory_space<hbm>>
    tpu.wait_dma2 semaphore(%arg10 : memref<!tpu.dma_semaphore, #tpu.memory_space<semaphore_mem>>) src(%dma_wait3A_480 : memref<1x512xi32, #tpu.memory_space<hbm>>) dst(%dma_wait3A_478 : memref<1x512xi32, #tpu.memory_space<vmem>>)
    %dma_wait3A_481 = arith.constant 0 : i32
    %dma_wait3A_482 = arith.constant 11264 : i32
    %dma_wait3A_483 = tpu.memref_slice %arg6[%dma_wait3A_481, %dma_wait3A_482] : memref<1x13312xi32, #tpu.memory_space<vmem>> -> memref<1x512xi32, #tpu.memory_space<vmem>>
    %dma_wait3A_484 = arith.constant 22 : i32
    %dma_wait3A_485 = tpu.memref_slice %arg2[%dma_wait3A_484, %mul3A_2] : memref<26x16384xi32, #tpu.memory_space<hbm>> -> memref<1x512xi32, #tpu.memory_space<hbm>>
    %dma_wait3A_486 = arith.constant 0 : i32
    %dma_wait3A_487 = arith.constant 11264 : i32
    %dma_wait3A_488 = tpu.memref_slice %arg6[%dma_wait3A_486, %dma_wait3A_487] : memref<1x13312xi32, #tpu.memory_space<vmem>> -> memref<1x512xi32, #tpu.memory_space<vmem>>
    %dma_wait3A_489 = arith.constant 22 : i32
    %dma_wait3A_490 = tpu.memref_slice %arg2[%dma_wait3A_489, %mul3A_2] : memref<26x16384xi32, #tpu.memory_space<hbm>> -> memref<1x512xi32, #tpu.memory_space<hbm>>
    tpu.wait_dma2 semaphore(%arg10 : memref<!tpu.dma_semaphore, #tpu.memory_space<semaphore_mem>>) src(%dma_wait3A_490 : memref<1x512xi32, #tpu.memory_space<hbm>>) dst(%dma_wait3A_488 : memref<1x512xi32, #tpu.memory_space<vmem>>)
    %dma_wait3A_491 = arith.constant 0 : i32
    %dma_wait3A_492 = arith.constant 11776 : i32
    %dma_wait3A_493 = tpu.memref_slice %arg6[%dma_wait3A_491, %dma_wait3A_492] : memref<1x13312xi32, #tpu.memory_space<vmem>> -> memref<1x512xi32, #tpu.memory_space<vmem>>
    %dma_wait3A_494 = arith.constant 23 : i32
    %dma_wait3A_495 = tpu.memref_slice %arg2[%dma_wait3A_494, %mul3A_2] : memref<26x16384xi32, #tpu.memory_space<hbm>> -> memref<1x512xi32, #tpu.memory_space<hbm>>
    %dma_wait3A_496 = arith.constant 0 : i32
    %dma_wait3A_497 = arith.constant 11776 : i32
    %dma_wait3A_498 = tpu.memref_slice %arg6[%dma_wait3A_496, %dma_wait3A_497] : memref<1x13312xi32, #tpu.memory_space<vmem>> -> memref<1x512xi32, #tpu.memory_space<vmem>>
    %dma_wait3A_499 = arith.constant 23 : i32
    %dma_wait3A_500 = tpu.memref_slice %arg2[%dma_wait3A_499, %mul3A_2] : memref<26x16384xi32, #tpu.memory_space<hbm>> -> memref<1x512xi32, #tpu.memory_space<hbm>>
    tpu.wait_dma2 semaphore(%arg10 : memref<!tpu.dma_semaphore, #tpu.memory_space<semaphore_mem>>) src(%dma_wait3A_500 : memref<1x512xi32, #tpu.memory_space<hbm>>) dst(%dma_wait3A_498 : memref<1x512xi32, #tpu.memory_space<vmem>>)
    %dma_wait3A_501 = arith.constant 0 : i32
    %dma_wait3A_502 = arith.constant 12288 : i32
    %dma_wait3A_503 = tpu.memref_slice %arg6[%dma_wait3A_501, %dma_wait3A_502] : memref<1x13312xi32, #tpu.memory_space<vmem>> -> memref<1x512xi32, #tpu.memory_space<vmem>>
    %dma_wait3A_504 = arith.constant 24 : i32
    %dma_wait3A_505 = tpu.memref_slice %arg2[%dma_wait3A_504, %mul3A_2] : memref<26x16384xi32, #tpu.memory_space<hbm>> -> memref<1x512xi32, #tpu.memory_space<hbm>>
    %dma_wait3A_506 = arith.constant 0 : i32
    %dma_wait3A_507 = arith.constant 12288 : i32
    %dma_wait3A_508 = tpu.memref_slice %arg6[%dma_wait3A_506, %dma_wait3A_507] : memref<1x13312xi32, #tpu.memory_space<vmem>> -> memref<1x512xi32, #tpu.memory_space<vmem>>
    %dma_wait3A_509 = arith.constant 24 : i32
    %dma_wait3A_510 = tpu.memref_slice %arg2[%dma_wait3A_509, %mul3A_2] : memref<26x16384xi32, #tpu.memory_space<hbm>> -> memref<1x512xi32, #tpu.memory_space<hbm>>
    tpu.wait_dma2 semaphore(%arg10 : memref<!tpu.dma_semaphore, #tpu.memory_space<semaphore_mem>>) src(%dma_wait3A_510 : memref<1x512xi32, #tpu.memory_space<hbm>>) dst(%dma_wait3A_508 : memref<1x512xi32, #tpu.memory_space<vmem>>)
    %dma_wait3A_511 = arith.constant 0 : i32
    %dma_wait3A_512 = arith.constant 12800 : i32
    %dma_wait3A_513 = tpu.memref_slice %arg6[%dma_wait3A_511, %dma_wait3A_512] : memref<1x13312xi32, #tpu.memory_space<vmem>> -> memref<1x512xi32, #tpu.memory_space<vmem>>
    %dma_wait3A_514 = arith.constant 25 : i32
    %dma_wait3A_515 = tpu.memref_slice %arg2[%dma_wait3A_514, %mul3A_2] : memref<26x16384xi32, #tpu.memory_space<hbm>> -> memref<1x512xi32, #tpu.memory_space<hbm>>
    %dma_wait3A_516 = arith.constant 0 : i32
    %dma_wait3A_517 = arith.constant 12800 : i32
    %dma_wait3A_518 = tpu.memref_slice %arg6[%dma_wait3A_516, %dma_wait3A_517] : memref<1x13312xi32, #tpu.memory_space<vmem>> -> memref<1x512xi32, #tpu.memory_space<vmem>>
    %dma_wait3A_519 = arith.constant 25 : i32
    %dma_wait3A_520 = tpu.memref_slice %arg2[%dma_wait3A_519, %mul3A_2] : memref<26x16384xi32, #tpu.memory_space<hbm>> -> memref<1x512xi32, #tpu.memory_space<hbm>>
    tpu.wait_dma2 semaphore(%arg10 : memref<!tpu.dma_semaphore, #tpu.memory_space<semaphore_mem>>) src(%dma_wait3A_520 : memref<1x512xi32, #tpu.memory_space<hbm>>) dst(%dma_wait3A_518 : memref<1x512xi32, #tpu.memory_space<vmem>>)
    %dma_start3A_521 = arith.constant 0 : i32
    %dma_start3A_522 = arith.constant 0 : i32
    %dma_start3A_523 = arith.constant 0 : i32
    %dma_start3A_524 = tpu.memref_slice %arg6[%dma_start3A_522, %dma_start3A_523] : memref<1x13312xi32, #tpu.memory_space<vmem>> -> memref<1x13312xi32, #tpu.memory_space<vmem>>
    %dma_start3A_525 = tpu.memref_squeeze %dma_start3A_524 : memref<1x13312xi32, #tpu.memory_space<vmem>> -> memref<13312xi32, #tpu.memory_space<vmem>>
    %dma_start3A_526 = arith.constant 0 : i32
    %dma_start3A_527 = tpu.memref_slice %arg3[%dma_start3A_521, %dma_start3A_526] : memref<1x1000001xf32, #tpu.memory_space<hbm>> -> memref<1x1000001xf32, #tpu.memory_space<hbm>>
    %dma_start3A_528 = tpu.memref_squeeze %dma_start3A_527 : memref<1x1000001xf32, #tpu.memory_space<hbm>> -> memref<1000001xf32, #tpu.memory_space<hbm>>
    %dma_start3A_529 = arith.constant 0 : i32
    %dma_start3A_530 = tpu.memref_slice %dma_start3A_528[%dma_start3A_529] : memref<1000001xf32, #tpu.memory_space<hbm>> -> memref<1000001xf32, #tpu.memory_space<hbm>>
    tpu.enqueue_indirect_dma source(%dma_start3A_530 : memref<1000001xf32, #tpu.memory_space<hbm>>) target(%arg7 : memref<13312xf32, #tpu.memory_space<vmem>>) offsets(%dma_start3A_525 : memref<13312xi32, #tpu.memory_space<vmem>>) semaphore(%arg11 : memref<!tpu.dma_semaphore, #tpu.memory_space<semaphore_mem>>)
    "tpu.region"() ({
      %run_scoped3A = tpu.sem_alloc : memref<!tpu.dma_semaphore, #tpu.memory_space<semaphore_mem>>
      tpu.enqueue_dma source(%arg4 : memref<16xf32, #tpu.memory_space<hbm>>) target(%arg9 : memref<16xf32, #tpu.memory_space<vmem>>) target_semaphore(%run_scoped3A : memref<!tpu.dma_semaphore, #tpu.memory_space<semaphore_mem>>)
      tpu.wait_dma2 semaphore(%run_scoped3A : memref<!tpu.dma_semaphore, #tpu.memory_space<semaphore_mem>>) src(%arg4 : memref<16xf32, #tpu.memory_space<hbm>>) dst(%arg9 : memref<16xf32, #tpu.memory_space<vmem>>)
      tpu.yield
    }) : () -> ()
    %get3A = arith.constant 0 : index
    %get3A_531 = tpu.vector_load %arg9[%get3A] {strides = array<i32>} : memref<16xf32, #tpu.memory_space<vmem>>, vector<16xf32>,
    %get3A_532 = vector.shape_cast %get3A_531 : vector<16xf32> to vector<16xf32>
    %dma_wait3A_533 = arith.constant 0 : i32
    %dma_wait3A_534 = arith.constant 0 : i32
    %dma_wait3A_535 = arith.constant 0 : i32
    %dma_wait3A_536 = tpu.memref_slice %arg6[%dma_wait3A_534, %dma_wait3A_535] : memref<1x13312xi32, #tpu.memory_space<vmem>> -> memref<1x13312xi32, #tpu.memory_space<vmem>>
    %dma_wait3A_537 = tpu.memref_squeeze %dma_wait3A_536 : memref<1x13312xi32, #tpu.memory_space<vmem>> -> memref<13312xi32, #tpu.memory_space<vmem>>
    %dma_wait3A_538 = arith.constant 0 : i32
    %dma_wait3A_539 = tpu.memref_slice %arg3[%dma_wait3A_533, %dma_wait3A_538] : memref<1x1000001xf32, #tpu.memory_space<hbm>> -> memref<1x1000001xf32, #tpu.memory_space<hbm>>
    %dma_wait3A_540 = tpu.memref_squeeze %dma_wait3A_539 : memref<1x1000001xf32, #tpu.memory_space<hbm>> -> memref<1000001xf32, #tpu.memory_space<hbm>>
    %dma_wait3A_541 = arith.constant 0 : i32
    %dma_wait3A_542 = tpu.memref_slice %dma_wait3A_540[%dma_wait3A_541] : memref<1000001xf32, #tpu.memory_space<hbm>> -> memref<1000001xf32, #tpu.memory_space<hbm>>
    tpu.wait_indirect_dma semaphore(%arg11 : memref<!tpu.dma_semaphore, #tpu.memory_space<semaphore_mem>>) src(%dma_wait3A_542 : memref<1000001xf32, #tpu.memory_space<hbm>>) dst(%arg7 : memref<13312xf32, #tpu.memory_space<vmem>>)
    %scan3A = arith.constant 0 : i32
    %scan3A_543 = arith.constant 0 : i32
    %scan3A_544 = arith.constant 32 : i32
    %scan3A_545 = arith.addi %scan3A_543, %scan3A_544 : i32
    %scan3A_546 = arith.constant 1 : i32
    %scan3A_547 = scf.for %scan3A_549 = %scan3A_543 to %scan3A_545 step %scan3A_546 iter_args(%scan3A_550 = %scan3A) -> (i32)  : i32 {
      %mul3A_551 = arith.constant 16 : i32
      %mul3A_552 = arith.muli %scan3A_549, %mul3A_551 : i32
      %add3A_553 = arith.constant 6656 : i32
      %add3A_554 = arith.addi %add3A_553, %mul3A_552 : i32
      %get3A_555 = arith.index_cast %add3A_554 : i32 to index
      %get3A_556 = tpu.vector_load %arg7[%get3A_555] {strides = array<i32>} : memref<13312xf32, #tpu.memory_space<vmem>>, vector<16xf32>,
      %get3A_557 = vector.shape_cast %get3A_556 : vector<16xf32> to vector<16xf32>
      %add3A_558 = arith.addf %get3A_532, %get3A_557 : vector<16xf32>
      %add3A_559 = arith.constant 7168 : i32
      %add3A_560 = arith.addi %add3A_559, %mul3A_552 : i32
      %get3A_561 = arith.index_cast %add3A_560 : i32 to index
      %get3A_562 = tpu.vector_load %arg7[%get3A_561] {strides = array<i32>} : memref<13312xf32, #tpu.memory_space<vmem>>, vector<16xf32>,
      %get3A_563 = vector.shape_cast %get3A_562 : vector<16xf32> to vector<16xf32>
      %add3A_564 = arith.constant 7680 : i32
      %add3A_565 = arith.addi %add3A_564, %mul3A_552 : i32
      %get3A_566 = arith.index_cast %add3A_565 : i32 to index
      %get3A_567 = tpu.vector_load %arg7[%get3A_566] {strides = array<i32>} : memref<13312xf32, #tpu.memory_space<vmem>>, vector<16xf32>,
      %get3A_568 = vector.shape_cast %get3A_567 : vector<16xf32> to vector<16xf32>
      %add3A_569 = arith.constant 0 : i32
      %add3A_570 = arith.addi %add3A_569, %mul3A_552 : i32
      %get3A_571 = arith.index_cast %add3A_570 : i32 to index
      %get3A_572 = tpu.vector_load %arg7[%get3A_571] {strides = array<i32>} : memref<13312xf32, #tpu.memory_space<vmem>>, vector<16xf32>,
      %get3A_573 = vector.shape_cast %get3A_572 : vector<16xf32> to vector<16xf32>
      %add3A_574 = arith.addf %add3A_558, %get3A_573 : vector<16xf32>
      %add3A_575 = arith.constant 8192 : i32
      %add3A_576 = arith.addi %add3A_575, %mul3A_552 : i32
      %get3A_577 = arith.index_cast %add3A_576 : i32 to index
      %get3A_578 = tpu.vector_load %arg7[%get3A_577] {strides = array<i32>} : memref<13312xf32, #tpu.memory_space<vmem>>, vector<16xf32>,
      %get3A_579 = vector.shape_cast %get3A_578 : vector<16xf32> to vector<16xf32>
      %add3A_580 = arith.addf %get3A_563, %get3A_579 : vector<16xf32>
      %add3A_581 = arith.constant 512 : i32
      %add3A_582 = arith.addi %add3A_581, %mul3A_552 : i32
      %get3A_583 = arith.index_cast %add3A_582 : i32 to index
      %get3A_584 = tpu.vector_load %arg7[%get3A_583] {strides = array<i32>} : memref<13312xf32, #tpu.memory_space<vmem>>, vector<16xf32>,
      %get3A_585 = vector.shape_cast %get3A_584 : vector<16xf32> to vector<16xf32>
      %add3A_586 = arith.addf %add3A_574, %get3A_585 : vector<16xf32>
      %add3A_587 = arith.constant 8704 : i32
      %add3A_588 = arith.addi %add3A_587, %mul3A_552 : i32
      %get3A_589 = arith.index_cast %add3A_588 : i32 to index
      %get3A_590 = tpu.vector_load %arg7[%get3A_589] {strides = array<i32>} : memref<13312xf32, #tpu.memory_space<vmem>>, vector<16xf32>,
      %get3A_591 = vector.shape_cast %get3A_590 : vector<16xf32> to vector<16xf32>
      %add3A_592 = arith.addf %add3A_580, %get3A_591 : vector<16xf32>
      %add3A_593 = arith.constant 1024 : i32
      %add3A_594 = arith.addi %add3A_593, %mul3A_552 : i32
      %get3A_595 = arith.index_cast %add3A_594 : i32 to index
      %get3A_596 = tpu.vector_load %arg7[%get3A_595] {strides = array<i32>} : memref<13312xf32, #tpu.memory_space<vmem>>, vector<16xf32>,
      %get3A_597 = vector.shape_cast %get3A_596 : vector<16xf32> to vector<16xf32>
      %add3A_598 = arith.addf %add3A_586, %get3A_597 : vector<16xf32>
      %add3A_599 = arith.constant 9216 : i32
      %add3A_600 = arith.addi %add3A_599, %mul3A_552 : i32
      %get3A_601 = arith.index_cast %add3A_600 : i32 to index
      %get3A_602 = tpu.vector_load %arg7[%get3A_601] {strides = array<i32>} : memref<13312xf32, #tpu.memory_space<vmem>>, vector<16xf32>,
      %get3A_603 = vector.shape_cast %get3A_602 : vector<16xf32> to vector<16xf32>
      %add3A_604 = arith.addf %add3A_592, %get3A_603 : vector<16xf32>
      %add3A_605 = arith.constant 1536 : i32
      %add3A_606 = arith.addi %add3A_605, %mul3A_552 : i32
      %get3A_607 = arith.index_cast %add3A_606 : i32 to index
      %get3A_608 = tpu.vector_load %arg7[%get3A_607] {strides = array<i32>} : memref<13312xf32, #tpu.memory_space<vmem>>, vector<16xf32>,
      %get3A_609 = vector.shape_cast %get3A_608 : vector<16xf32> to vector<16xf32>
      %add3A_610 = arith.addf %add3A_598, %get3A_609 : vector<16xf32>
      %add3A_611 = arith.constant 9728 : i32
      %add3A_612 = arith.addi %add3A_611, %mul3A_552 : i32
      %get3A_613 = arith.index_cast %add3A_612 : i32 to index
      %get3A_614 = tpu.vector_load %arg7[%get3A_613] {strides = array<i32>} : memref<13312xf32, #tpu.memory_space<vmem>>, vector<16xf32>,
      %get3A_615 = vector.shape_cast %get3A_614 : vector<16xf32> to vector<16xf32>
      %add3A_616 = arith.addf %add3A_604, %get3A_615 : vector<16xf32>
      %add3A_617 = arith.constant 2048 : i32
      %add3A_618 = arith.addi %add3A_617, %mul3A_552 : i32
      %get3A_619 = arith.index_cast %add3A_618 : i32 to index
      %get3A_620 = tpu.vector_load %arg7[%get3A_619] {strides = array<i32>} : memref<13312xf32, #tpu.memory_space<vmem>>, vector<16xf32>,
      %get3A_621 = vector.shape_cast %get3A_620 : vector<16xf32> to vector<16xf32>
      %add3A_622 = arith.addf %add3A_610, %get3A_621 : vector<16xf32>
      %add3A_623 = arith.constant 10240 : i32
      %add3A_624 = arith.addi %add3A_623, %mul3A_552 : i32
      %get3A_625 = arith.index_cast %add3A_624 : i32 to index
      %get3A_626 = tpu.vector_load %arg7[%get3A_625] {strides = array<i32>} : memref<13312xf32, #tpu.memory_space<vmem>>, vector<16xf32>,
      %get3A_627 = vector.shape_cast %get3A_626 : vector<16xf32> to vector<16xf32>
      %add3A_628 = arith.addf %add3A_616, %get3A_627 : vector<16xf32>
      %add3A_629 = arith.constant 2560 : i32
      %add3A_630 = arith.addi %add3A_629, %mul3A_552 : i32
      %get3A_631 = arith.index_cast %add3A_630 : i32 to index
      %get3A_632 = tpu.vector_load %arg7[%get3A_631] {strides = array<i32>} : memref<13312xf32, #tpu.memory_space<vmem>>, vector<16xf32>,
      %get3A_633 = vector.shape_cast %get3A_632 : vector<16xf32> to vector<16xf32>
      %add3A_634 = arith.addf %add3A_622, %get3A_633 : vector<16xf32>
      %add3A_635 = arith.constant 10752 : i32
      %add3A_636 = arith.addi %add3A_635, %mul3A_552 : i32
      %get3A_637 = arith.index_cast %add3A_636 : i32 to index
      %get3A_638 = tpu.vector_load %arg7[%get3A_637] {strides = array<i32>} : memref<13312xf32, #tpu.memory_space<vmem>>, vector<16xf32>,
      %get3A_639 = vector.shape_cast %get3A_638 : vector<16xf32> to vector<16xf32>
      %add3A_640 = arith.addf %add3A_628, %get3A_639 : vector<16xf32>
      %add3A_641 = arith.constant 3072 : i32
      %add3A_642 = arith.addi %add3A_641, %mul3A_552 : i32
      %get3A_643 = arith.index_cast %add3A_642 : i32 to index
      %get3A_644 = tpu.vector_load %arg7[%get3A_643] {strides = array<i32>} : memref<13312xf32, #tpu.memory_space<vmem>>, vector<16xf32>,
      %get3A_645 = vector.shape_cast %get3A_644 : vector<16xf32> to vector<16xf32>
      %add3A_646 = arith.addf %add3A_634, %get3A_645 : vector<16xf32>
      %add3A_647 = arith.constant 11264 : i32
      %add3A_648 = arith.addi %add3A_647, %mul3A_552 : i32
      %get3A_649 = arith.index_cast %add3A_648 : i32 to index
      %get3A_650 = tpu.vector_load %arg7[%get3A_649] {strides = array<i32>} : memref<13312xf32, #tpu.memory_space<vmem>>, vector<16xf32>,
      %get3A_651 = vector.shape_cast %get3A_650 : vector<16xf32> to vector<16xf32>
      %add3A_652 = arith.addf %add3A_640, %get3A_651 : vector<16xf32>
      %add3A_653 = arith.constant 3584 : i32
      %add3A_654 = arith.addi %add3A_653, %mul3A_552 : i32
      %get3A_655 = arith.index_cast %add3A_654 : i32 to index
      %get3A_656 = tpu.vector_load %arg7[%get3A_655] {strides = array<i32>} : memref<13312xf32, #tpu.memory_space<vmem>>, vector<16xf32>,
      %get3A_657 = vector.shape_cast %get3A_656 : vector<16xf32> to vector<16xf32>
      %add3A_658 = arith.addf %add3A_646, %get3A_657 : vector<16xf32>
      %add3A_659 = arith.constant 11776 : i32
      %add3A_660 = arith.addi %add3A_659, %mul3A_552 : i32
      %get3A_661 = arith.index_cast %add3A_660 : i32 to index
      %get3A_662 = tpu.vector_load %arg7[%get3A_661] {strides = array<i32>} : memref<13312xf32, #tpu.memory_space<vmem>>, vector<16xf32>,
      %get3A_663 = vector.shape_cast %get3A_662 : vector<16xf32> to vector<16xf32>
      %add3A_664 = arith.addf %add3A_652, %get3A_663 : vector<16xf32>
      %add3A_665 = arith.constant 4096 : i32
      %add3A_666 = arith.addi %add3A_665, %mul3A_552 : i32
      %get3A_667 = arith.index_cast %add3A_666 : i32 to index
      %get3A_668 = tpu.vector_load %arg7[%get3A_667] {strides = array<i32>} : memref<13312xf32, #tpu.memory_space<vmem>>, vector<16xf32>,
      %get3A_669 = vector.shape_cast %get3A_668 : vector<16xf32> to vector<16xf32>
      %add3A_670 = arith.addf %add3A_658, %get3A_669 : vector<16xf32>
      %add3A_671 = arith.constant 12288 : i32
      %add3A_672 = arith.addi %add3A_671, %mul3A_552 : i32
      %get3A_673 = arith.index_cast %add3A_672 : i32 to index
      %get3A_674 = tpu.vector_load %arg7[%get3A_673] {strides = array<i32>} : memref<13312xf32, #tpu.memory_space<vmem>>, vector<16xf32>,
      %get3A_675 = vector.shape_cast %get3A_674 : vector<16xf32> to vector<16xf32>
      %add3A_676 = arith.addf %add3A_664, %get3A_675 : vector<16xf32>
      %add3A_677 = arith.constant 4608 : i32
      %add3A_678 = arith.addi %add3A_677, %mul3A_552 : i32
      %get3A_679 = arith.index_cast %add3A_678 : i32 to index
      %get3A_680 = tpu.vector_load %arg7[%get3A_679] {strides = array<i32>} : memref<13312xf32, #tpu.memory_space<vmem>>, vector<16xf32>,
      %get3A_681 = vector.shape_cast %get3A_680 : vector<16xf32> to vector<16xf32>
      %add3A_682 = arith.addf %add3A_670, %get3A_681 : vector<16xf32>
      %add3A_683 = arith.constant 12800 : i32
      %add3A_684 = arith.addi %add3A_683, %mul3A_552 : i32
      %get3A_685 = arith.index_cast %add3A_684 : i32 to index
      %get3A_686 = tpu.vector_load %arg7[%get3A_685] {strides = array<i32>} : memref<13312xf32, #tpu.memory_space<vmem>>, vector<16xf32>,
      %get3A_687 = vector.shape_cast %get3A_686 : vector<16xf32> to vector<16xf32>
      %add3A_688 = arith.addf %add3A_676, %get3A_687 : vector<16xf32>
      %add3A_689 = arith.constant 5120 : i32
      %add3A_690 = arith.addi %add3A_689, %mul3A_552 : i32
      %get3A_691 = arith.index_cast %add3A_690 : i32 to index
      %get3A_692 = tpu.vector_load %arg7[%get3A_691] {strides = array<i32>} : memref<13312xf32, #tpu.memory_space<vmem>>, vector<16xf32>,
      %get3A_693 = vector.shape_cast %get3A_692 : vector<16xf32> to vector<16xf32>
      %add3A_694 = arith.addf %add3A_682, %get3A_693 : vector<16xf32>
      %add3A_695 = arith.constant 5632 : i32
      %add3A_696 = arith.addi %add3A_695, %mul3A_552 : i32
      %get3A_697 = arith.index_cast %add3A_696 : i32 to index
      %get3A_698 = tpu.vector_load %arg7[%get3A_697] {strides = array<i32>} : memref<13312xf32, #tpu.memory_space<vmem>>, vector<16xf32>,
      %get3A_699 = vector.shape_cast %get3A_698 : vector<16xf32> to vector<16xf32>
      %add3A_700 = arith.addf %add3A_694, %get3A_699 : vector<16xf32>
      %add3A_701 = arith.constant 6144 : i32
      %add3A_702 = arith.addi %add3A_701, %mul3A_552 : i32
      %get3A_703 = arith.index_cast %add3A_702 : i32 to index
      %get3A_704 = tpu.vector_load %arg7[%get3A_703] {strides = array<i32>} : memref<13312xf32, #tpu.memory_space<vmem>>, vector<16xf32>,
      %get3A_705 = vector.shape_cast %get3A_704 : vector<16xf32> to vector<16xf32>
      %add3A_706 = arith.addf %add3A_700, %get3A_705 : vector<16xf32>
      %add3A_707 = arith.addf %add3A_706, %add3A_688 : vector<16xf32>
      %add3A_708 = arith.addf %add3A_707, %get3A_568 : vector<16xf32>
      %swap3A = arith.index_cast %mul3A_552 : i32 to index
      %swap3A_709 = tpu.vector_load %arg8[%swap3A] {strides = array<i32>} : memref<512xf32, #tpu.memory_space<vmem>>, vector<16xf32>,
      %swap3A_710 = vector.shape_cast %swap3A_709 : vector<16xf32> to vector<16xf32>
      %swap3A_711 = vector.shape_cast %add3A_708 : vector<16xf32> to vector<16xf32>
      tpu.vector_store %arg8[%swap3A], %swap3A_711 {strides = array<i32>} : memref<512xf32, #tpu.memory_space<vmem>>, vector<16xf32>,
      %scan3A_712 = arith.constant 0 : i32
      scf.yield %scan3A_712 : i32
    }
    %scan3A_548 = arith.constant 32 : i32
    "tpu.region"() ({
      %run_scoped3A = tpu.sem_alloc : memref<!tpu.dma_semaphore, #tpu.memory_space<semaphore_mem>>
      %dma_start3A_549 = tpu.memref_slice %arg5[%mul3A_2] : memref<16384xf32, #tpu.memory_space<hbm>> -> memref<512xf32, #tpu.memory_space<hbm>>
      %dma_start3A_550 = tpu.memref_slice %arg5[%mul3A_2] : memref<16384xf32, #tpu.memory_space<hbm>> -> memref<512xf32, #tpu.memory_space<hbm>>
      tpu.enqueue_dma source(%arg8 : memref<512xf32, #tpu.memory_space<vmem>>) target(%dma_start3A_550 : memref<512xf32, #tpu.memory_space<hbm>>) target_semaphore(%run_scoped3A : memref<!tpu.dma_semaphore, #tpu.memory_space<semaphore_mem>>)
      %dma_wait3A_551 = tpu.memref_slice %arg5[%mul3A_2] : memref<16384xf32, #tpu.memory_space<hbm>> -> memref<512xf32, #tpu.memory_space<hbm>>
      %dma_wait3A_552 = tpu.memref_slice %arg5[%mul3A_2] : memref<16384xf32, #tpu.memory_space<hbm>> -> memref<512xf32, #tpu.memory_space<hbm>>
      tpu.wait_dma2 semaphore(%run_scoped3A : memref<!tpu.dma_semaphore, #tpu.memory_space<semaphore_mem>>) src(%arg8 : memref<512xf32, #tpu.memory_space<vmem>>) dst(%dma_wait3A_552 : memref<512xf32, #tpu.memory_space<hbm>>)
      tpu.yield
    }) : () -> ()
    return
  }
}

</mosaic_0001>

<sc_bundles>
// kernel: kernel.3.cloned.1.call-start
scs
__scs_entry_jumppad:
0x0: {  	(pc) =	sbr.rel $0x88, $3  }
0x1: {  	(tag) =	ssettag $0x0;
	lr =	simm.s32 $0x1  }
0x2: {  	[smem:$0x3F9E] =	sst lr;
	_ =	strace $0xD0000000  }
0x3: {  	_ = 	snop  }
0x4: {  	_ = 	snop  }
0x5: {  	_ = 	snop  }
0x6: {  	_ = 	snop  }
0x7: {  	_ = 	snop  }
__scs_overlays_trampoline_lowered:
0x8: {  	[smem:$0x3FAD] =	sst s0  }
0x9: {  	[smem:$0x3FAE] =	sst s1  }
0xa: {  	[smem:$0x3FAF] =	sst s2  }
0xb: {  	[smem:$0x3FB0] =	sst s3  }
0xc: {  	[smem:$0x3FB1] =	sst s4  }
0xd: {  	[smem:$0x3FB2] =	sst s5  }
0xe: {  	[smem:$0x3FB3] =	sst s6  }
0xf: {  	[smem:$0x3FB4] =	sst s7  }
0x10: {  	[smem:$0x3FB5] =	sst s8  }
0x11: {  	[smem:$0x3FB6] =	sst s9;
	s0 =	simm.s32 @!p0 $0x0  }
0x12: {  	s1 =	sld [smem:$0x3F9C];
	s0 =	simm.s32 @p0 $0x1  }
0x13: {  	[smem:$0x3FB7] =	sst s0;
	s0 =	simm.s32 @!p1 $0x0  }
0x14: {  	s2 =	sld [smem:$0x3F9B];
	s0 =	simm.s32 @p1 $0x1  }
0x15: {  	[smem:$0x3FB8] =	sst s0;
	s0 =	simm.s32 @!p2 $0x0  }
0x16: {  	s3 =	sld [smem:$0x3FDB];
	s0 =	simm.s32 @p2 $0x1  }
0x17: {  	s4 =	simm.s32 $0x1BF5;
	[smem:$0x3FBA] =	sst s0  }
0x18: {  	s0 =	sld [smem:$0x3F9D];
	_ =	swait.ge [sflag:s4], $0x0  }
0x19: {  	s7 =	sld [smem:$0x3F9E]  }
0x1a: {  	s8 =	sadd.s32 $0xFFFFE003, lr  }
0x1b: {  	s9 =	sadd.s32 $0xFFFFFEF7, lr;
	s5 =	simm.s32 $0xFFFFFFFF;
	p2 =	slt.u32 s8, $0xFFFFF086  }
0x1c: {  	p1 =	slt.u32 s9, $0xF7A;
	s5 =	simm.s32 @!p2 $0x0  }
0x1d: {  	s5 =	simm.s32 @p1 $0x1;
	p0 =	seq.s32 s7, s2  }
0x1e: {  	s7 =	smul.u32 @!p0 $0xF7A, s2;
	p2 =	seq.s32 @!p0 s5, $0x0  }
0x1f: {  	s9 =	smul.u32 $0xF7A, s1;
	s8 =	simm.s32 @!p0 $0x1BF5;
	p2 =	por !p2, p0  }
0x20: {  	[sflag:s8] =	ssyncset.s32 @!p0 $0xFFFFF086;
	s6 =	sadd.s32 @!p0 s3, s7;
	s7 =	simm.s32 @!p0 $0x108  }
0x21: {  	s3 =	sadd.s32 s3, s9;
	s6 =	sadd.s32 @!p0 $0x88, s6;
	s7 =	simm.s32 @p2 $0x1082  }
0x22: {  	[simem:s7], [sflag:s8] =	dma.local @!p0 [hbm:s6], $0xF7A  }
0x23: {  	s9 =	sor.u32 $0xD0000000, s2;
	s6 =	simm.s32 $0x108;
	_ =	swait.ge @!p0 [sflag:s8], $0x0  }
0x24: {  	s3 =	sadd.s32 $0x88, s3;
	s6 =	simm.s32 @!p1 $0x1082;
	[sflag:s4] =	ssyncset.s32 $0xFFFFF086  }
0x25: {  	[simem:s6], [sflag:s4] =	dma.local [hbm:s3], $0xF7A  }
0x26: {  	[smem:$0x3F9E] =	sst s1;
	(tag) =	ssettag s2;
	_ =	strace s9  }
0x27: {  	s1 =	sld [smem:$0x3FAE]  }
0x28: {  	s2 =	sld [smem:$0x3FAF]  }
0x29: {  	s4 =	sld [smem:$0x3FB1]  }
0x2a: {  	p0 =	seq.s32 s5, $0x0;
	s5 =	sld [smem:$0x3FB2]  }
0x2b: {  	s6 =	sld [smem:$0x3FB3]  }
0x2c: {  	s7 =	sld [smem:$0x3FB4]  }
0x2d: {  	s3 =	simm.s32 $0x108;
	s8 =	sld [smem:$0x3FB5]  }
0x2e: {  	s3 =	simm.s32 @!p0 $0x1082;
	s9 =	sld [smem:$0x3FB6]  }
0x2f: {  	lr =	sadd.s32 s0, s3;
	s0 =	sld [smem:$0x3FAD]  }
0x30: {  	s3 =	sld [smem:$0x3FB0]  }
0x31: {  	[smem:$0x3FB9] =	sst s10  }
0x32: {  	s10 =	sld [smem:$0x3FB7];
	_ =	sdelay $0x3  }
0x33: {  	p0 =	seq.s32 s10, $0x1;
	s10 =	sld [smem:$0x3FB9];
	_ =	sdelay $0x3  }
0x34: {  	[smem:$0x3FB9] =	sst s10  }
0x35: {  	s10 =	sld [smem:$0x3FB8];
	_ =	sdelay $0x3  }
0x36: {  	p1 =	seq.s32 s10, $0x1;
	s10 =	sld [smem:$0x3FB9];
	_ =	sdelay $0x3  }
0x37: {  	[smem:$0x3FB9] =	sst s10  }
0x38: {  	s10 =	sld [smem:$0x3FBA]  }
0x39: {  	_ = 	snop;
	(pc) =	sbr.ind lr, $3  }
0x3a: {  	_ = 	snop  }
0x3b: {  	_ = 	snop  }
0x3c: {  	p2 =	seq.s32 s10, $0x1;
	s10 =	sld [smem:$0x3FB9]  }
0x3d: {  	_ =	shalt  }
0x3e: {  	_ =	shalt  }
0x3f: {  	_ =	shalt  }
0x40: {  	_ =	shalt  }
0x41: {  	_ =	shalt  }
0x42: {  	_ =	shalt  }
0x43: {  	_ =	shalt  }
0x44: {  	_ =	shalt  }
0x45: {  	_ =	shalt  }
0x46: {  	_ =	shalt  }
0x47: {  	_ =	shalt  }
0x48: {  	_ =	shalt  }
0x49: {  	_ =	shalt  }
0x4a: {  	_ =	shalt  }
0x4b: {  	_ =	shalt  }
0x4c: {  	_ =	shalt  }
0x4d: {  	_ =	shalt  }
0x4e: {  	_ =	shalt  }
0x4f: {  	_ =	shalt  }
0x50: {  	_ =	shalt  }
0x51: {  	_ =	shalt  }
0x52: {  	_ =	shalt  }
0x53: {  	_ =	shalt  }
0x54: {  	_ =	shalt  }
0x55: {  	_ =	shalt  }
0x56: {  	_ =	shalt  }
0x57: {  	_ =	shalt  }
0x58: {  	_ =	shalt  }
0x59: {  	_ =	shalt  }
0x5a: {  	_ =	shalt  }
0x5b: {  	_ =	shalt  }
0x5c: {  	_ =	shalt  }
0x5d: {  	_ =	shalt  }
0x5e: {  	_ =	shalt  }
0x5f: {  	_ =	shalt  }
0x60: {  	_ =	shalt  }
0x61: {  	_ =	shalt  }
0x62: {  	_ =	shalt  }
0x63: {  	_ =	shalt  }
0x64: {  	_ =	shalt  }
0x65: {  	_ =	shalt  }
0x66: {  	_ =	shalt  }
0x67: {  	_ =	shalt  }
0x68: {  	_ =	shalt  }
0x69: {  	_ =	shalt  }
0x6a: {  	_ =	shalt  }
0x6b: {  	_ =	shalt  }
0x6c: {  	_ =	shalt  }
0x6d: {  	_ =	shalt  }
0x6e: {  	_ =	shalt  }
0x6f: {  	_ =	shalt  }
0x70: {  	_ =	shalt  }
0x71: {  	_ =	shalt  }
0x72: {  	_ =	shalt  }
0x73: {  	_ =	shalt  }
0x74: {  	_ =	shalt  }
0x75: {  	_ =	shalt  }
0x76: {  	_ =	shalt  }
0x77: {  	_ =	shalt  }
0x78: {  	_ =	shalt  }
0x79: {  	_ =	shalt  }
0x7a: {  	_ =	shalt  }
0x7b: {  	_ =	shalt  }
0x7c: {  	_ =	shalt  }
0x7d: {  	_ =	shalt  }
0x7e: {  	_ =	shalt  }
0x7f: {  	_ =	shalt  }
0x80: {  	_ =	shalt  }
0x81: {  	_ =	shalt  }
0x82: {  	_ =	shalt  }
0x83: {  	_ =	shalt  }
0x84: {  	_ =	shalt  }
0x85: {  	_ =	shalt  }
0x86: {  	_ =	shalt  }
0x87: {  	_ =	shalt  }
.Lfunc_end0:
.L_simem_size_0:
called_computation_lowered:
.L_overlay_start_0:
0x88: {  	s2 =	sld [smem:$0x3FD9]  }
0x89: {  	s3 =	sld [smem:$0x3FFE];
	_ =	sdelay $0x1  }
0x8a: {  	s1 =	srdreg.scid  }
0x8b: {  	s0 =	sand.u32 $0x1, s1  }
0x8c: {  	s17 =	sshll.u32 s0, $0xA;
	s2 =	sadd.s32 s3, s2  }
0x8d: {  	s2 =	sadd.s32 s2, s17  }
0x8e: {  	[smem:$0x3FC5] =	sst s2  }
0x8f: {  	_ = 	snop  }
0x90: {  	s2 =	sld [smem:$0x3FC9]  }
0x91: {  	s18 =	sld [smem:$0x3FC8]  }
0x92: {  	s4 =	sld [smem:$0x3FD0];
	(tm) =	ssettm $0x1  }
0x93: {  	s5 =	sld [smem:$0x3FFB];
	_ =	sdelay $0x3  }
0x94: {  	_ =	strace s5  }
0x95: {  	s5 =	sld [smem:$0x3FFC];
	_ =	sdelay $0x3  }
0x96: {  	_ =	strace s5  }
0x97: {  	s5 =	sld [smem:$0x3FFD];
	_ =	sdelay $0x3  }
0x98: {  	_ =	strace s5  }
0x99: {  	_ =	strace $0x8FFFFFFF  }
0x9a: {  	s19 =	sld [smem:$0x3FDB];
	_ =	sdelay $0x1  }
0x9b: {  	s6 =	simm.s32 $_scs_section_size  }
0x9c: {  	s7 =	simm.s32 $_size__tile_overlayer_lowered;
	s8 =	simm.s32 $_tile_overlayer_lowered  }
0x9d: {  	s22 =	simm.s32 $0x1BFF;
	s21 =	sshll.u32 s8, $0x1;
	s5 =	sadd.s32 s6, s19  }
0x9e: {  	s9 =	simm.s32 $0x0;
	s20 =	sshll.u32 s7, $0x1;
	s7 =	sadd.s32 s21, s5  }
0x9f: {  	[timem:s9], [sflag:s22] =	dma.local [hbm:s7], s20  }
0xa0: {  	_ =	swait.ge [sflag:s22], s20  }
0xa1: {  	s6 =	ssub.s32 $0x0, s20;
	[sflag:s22] =	ssyncset.done $0x0  }
0xa2: {  	[sflag:s22] =	ssyncadd.s32 s6;
	_ =	sdelay $0x1  }
0xa3: {  	s23 =	simm.s32 $0x1B8B  }
0xa4: {  	_ =	swait.ge [sflag:s23], $0x1  }
0xa5: {  	[sflag:s23] =	ssyncset.done $0x0  }
0xa6: {  	s25 =	simm.s32 $0x1B8E;
	s24 =	sld [smem:$0x3FFE];
	[sflag:s23] =	ssyncadd.s32 $0xFFFFFFFF  }
0xa7: {  	s26 =	simm.s32 $execute0_lowered;
	[smem:$0x3FD2] =	sst s25  }
0xa8: {  	s7 =	sshll.u32 s26, $0x1;
	_ =	strace $0x80000046;
	[dreg:$0x1] =	wrdreg $0xFFFFFFFF  }
0xa9: {  	s28 =	simm.s32 $_size_execute0_lowered;
	s5 =	sadd.s32 s5, s7;
	[dreg:$0x0] =	wrdreg $0x0  }
0xaa: {  	s7 =	sshll.u32 s28, $0x1;
	[dreg:$0x2] =	wrdreg s5  }
0xab: {  	[dreg:$0x3] =	wrdreg s7  }
0xac: {  	[dreg:$0x4] =	wrdreg $0xC0  }
0xad: {  	_ =	task [dreg:s9], $0x5FFFF  }
0xae: {  	[dreg:$0x1] =	wrdreg $0xFFFFFFFF  }
0xaf: {  	[dreg:$0x0] =	wrdreg $0x60  }
0xb0: {  	[dreg:$0x2] =	wrdreg s2  }
0xb1: {  	[dreg:$0x3] =	wrdreg s18  }
0xb2: {  	[dreg:$0x4] =	wrdreg s24  }
0xb3: {  	[dreg:$0x5] =	wrdreg s4  }
0xb4: {  	[dreg:$0x6] =	wrdreg $0x9  }
0xb5: {  	_ =	task.clear_ibuf [dreg:s9], $0x7FFFF;
	_ =	strace $0x90000046  }
0xb6: {  	s29 =	simm.s32 $0x9;
	_ =	strace $0x80000048  }
0xb7: {  	_ =	swait.ge [sflag:s29], $0x1  }
0xb8: {  	[sflag:s29] =	ssyncadd.s32 $0xFFFFFFFF  }
0xb9: {  	_ =	strace $0x90000048  }
0xba: {  	_ =	sfence  }
0xbb: {  	s30 =	sld [smem:$0x0];
	_ =	sdelay $0x2  }
0xbc: {  	s31 =	sshll.u32 s1, $0xD;
	s1 =	sshrl.u32 s1, $0x2  }
0xbd: {  	s3 =	sand.u32 $0x4000, s31;
	s1 =	sadd.s32 s1, s30  }
0xbe: {  	s0 =	sor.u32 s3, s0;
	s1 =	sshll.u32 s1, $0x11  }
0xbf: {  	s0 =	sor.u32 s1, s0  }
0xc0: {  	s0 =	sadd.s32 $0x8F2B, s0  }
0xc1: {  	[sflag:s0] =	ssyncadd.remote.s32 $0x1  }
0xc2: {  	_ =	sfence.sel $0xFFFF  }
0xc3: {  	[dreg:$0x0] =	wrdreg $0xFFFFFFFF;
	(pc) =	sbr.abs _section_cstart, $3  }
0xc4: {  	[dreg:$0x1] =	wrdreg $0xFFFFFFFF  }
0xc5: {  	_ =	task.clear_ibuf [dreg:s9], $0x2FFFF;
	_ =	strace $0x9FFFFFFF  }
0xc6: {  	(tm) =	ssettm $0x7FFFFFFF  }
0xc7: {  	_ =	shalt  }
tec
execute0_lowered:
.L_overlay_start_1:
0x0: {  	(tag) =	ssettag $0x1  }
0x1: {  	s0 =	rddreg [dreg:$0x0]  }
0x2: {  	s1 =	rddreg [dreg:$0x2]  }
0x3: {  	s2 =	rddreg [dreg:$0x3];
	s3 =	simm.s32 $0x0;
	s4 =	srdreg.scid  }
0x4: {  	s6 =	stileid.u32;
	s8 =	simm.s32 $0x2;
	s9 =	simm.s32 $0x6800  }
0x5: {  	s10 =	simm.s32 $0x0;
	[smem:$0x7FF] =	sst s3;
	s4 =	sand.u32 $0x1, s4  }
0x6: {  	s6 =	sshll.u32 s6, $0xA;
	s1 =	sadd.s32 $0x400, s1;
	s5 =	ssub.s32 $0x2, s4  }
0x7: {  	s4 =	sshll.u32 s4, $0x9;
	_ =	strace $0x80000047;
	[dreg:$0x5] =	wrdreg s1  }
0x8: {  	s1 =	simm.s32 $0x80;
	s7 =	sshrl.u32 s5, $0x1;
	s4 =	sor.u32 s4, s6  }
0x9: {  	s6 =	simm.s32 $0x1;
	s14 =	ssub.s32 s5, s7;
	s5 =	sadd.s32 s0, s4  }
0xa: {  	s26 =	sshrl.u32 s4, $0x3;
	s4 =	simm.s32 $0x400;
	s0 =	sadd.s32 $0x10, s5  }
0xb: {  	s7 =	simm.s32 $0x3;
	s18 =	sadd.s32 $0x20, s5;
	[dreg:$0x6] =	wrdreg s0  }
0xc: {  	s19 =	sadd.s32 $0x30, s5;
	s20 =	sadd.s32 $0x40, s5;
	[dreg:$0x7] =	wrdreg s18  }
0xd: {  	s21 =	sadd.s32 $0x50, s5;
	s22 =	sadd.s32 $0x60, s5;
	[dreg:$0x8] =	wrdreg s19  }
0xe: {  	s23 =	sadd.s32 $0x70, s5;
	s24 =	sadd.s32 $0x4000, s5;
	[dreg:$0x9] =	wrdreg s20  }
0xf: {  	s25 =	sadd.s32 $0x4010, s5;
	s15 =	sadd.s32 $0x4020, s5;
	[dreg:$0xa] =	wrdreg s21  }
0x10: {  	s16 =	sadd.s32 $0x4030, s5;
	s17 =	sadd.s32 $0x4040, s5;
	[dreg:$0xb] =	wrdreg s22  }
0x11: {  	s28 =	sadd.s32 $0x8040, s5;
	s29 =	sadd.s32 $0x8050, s5;
	[dreg:$0xc] =	wrdreg s23  }
0x12: {  	s30 =	sadd.s32 $0x8060, s5;
	s31 =	sadd.s32 $0x8070, s5;
	[dreg:$0xd] =	wrdreg s24  }
0x13: {  	[dreg:$0xe] =	wrdreg s25;
	s18 =	sadd.s32 $0x4050, s5;
	s19 =	sadd.s32 $0x4060, s5  }
0x14: {  	s20 =	sadd.s32 $0x4070, s5;
	s21 =	sadd.s32 $0x8000, s5;
	s22 =	sadd.s32 $0x8010, s5  }
0x15: {  	s23 =	sadd.s32 s2, s26;
	s24 =	sadd.s32 $0x8020, s5;
	s25 =	smax.u32 s14, $0x1  }
0x16: {  	s26 =	sadd.s32 $0x8030, s5;
	s0 =	sadd.s32 $0xC000, s5;
	s2 =	sadd.s32 $0xC010, s5  }
.LBB2_1:
0x17: {  	[tilespmem:s3], [sflag:$0x1] =	stream.strided.gather [hbm4b:s5+s1], $0x200, s4, s1, $0x38;
	[tilespmem:$0x6A80] =	vst v63  }
0x18: {  	s11 =	rddreg [dreg:$0x6];
	s12 =	simm.s32 $0x200  }
0x19: {  	[tilespmem:s12], [sflag:$0x1] =	stream.strided.gather [hbm4b:s11+s1], $0x200, s4, s1, $0x38;
	[tilespmem:$0x6A80] =	vst v63  }
0x1a: {  	s12 =	rddreg [dreg:$0x7]  }
0x1b: {  	[tilespmem:s4], [sflag:$0x1] =	stream.strided.gather [hbm4b:s12+s1], $0x200, s4, s1, $0x38;
	[tilespmem:$0x6A80] =	vst v63  }
0x1c: {  	s13 =	rddreg [dreg:$0x8];
	s14 =	simm.s32 $0x600  }
0x1d: {  	[tilespmem:s14], [sflag:$0x1] =	stream.strided.gather [hbm4b:s13+s1], $0x200, s4, s1, $0x38;
	[tilespmem:$0x6A80] =	vst v63  }
0x1e: {  	s13 =	rddreg [dreg:$0x9];
	s14 =	simm.s32 $0x800  }
0x1f: {  	[tilespmem:s14], [sflag:$0x1] =	stream.strided.gather [hbm4b:s13+s1], $0x200, s4, s1, $0x38;
	[tilespmem:$0x6A80] =	vst v63  }
0x20: {  	s13 =	rddreg [dreg:$0xa];
	s14 =	simm.s32 $0xA00  }
0x21: {  	[tilespmem:s14], [sflag:$0x1] =	stream.strided.gather [hbm4b:s13+s1], $0x200, s4, s1, $0x38;
	[tilespmem:$0x6A80] =	vst v63  }
0x22: {  	s13 =	rddreg [dreg:$0xb];
	s14 =	simm.s32 $0xC00  }
0x23: {  	[tilespmem:s14], [sflag:$0x1] =	stream.strided.gather [hbm4b:s13+s1], $0x200, s4, s1, $0x38;
	[tilespmem:$0x6A80] =	vst v63  }
0x24: {  	s13 =	rddreg [dreg:$0xc];
	s14 =	simm.s32 $0xE00  }
0x25: {  	[tilespmem:s14], [sflag:$0x1] =	stream.strided.gather [hbm4b:s13+s1], $0x200, s4, s1, $0x38;
	[tilespmem:$0x6A80] =	vst v63  }
0x26: {  	s13 =	rddreg [dreg:$0xd];
	s14 =	simm.s32 $0x1000  }
0x27: {  	[tilespmem:s14], [sflag:$0x1] =	stream.strided.gather [hbm4b:s13+s1], $0x200, s4, s1, $0x38;
	[tilespmem:$0x6A80] =	vst v63  }
0x28: {  	s13 =	rddreg [dreg:$0xe];
	s14 =	simm.s32 $0x1200  }
0x29: {  	[tilespmem:s14], [sflag:$0x1] =	stream.strided.gather [hbm4b:s13+s1], $0x200, s4, s1, $0x38;
	[tilespmem:$0x6A80] =	vst v63  }
0x2a: {  	s12 =	simm.s32 $0x1400  }
0x2b: {  	[tilespmem:s12], [sflag:$0x1] =	stream.strided.gather [hbm4b:s15+s1], $0x200, s4, s1, $0x38;
	[tilespmem:$0x6A80] =	vst v63  }
0x2c: {  	s13 =	simm.s32 $0x1600  }
0x2d: {  	[tilespmem:s13], [sflag:$0x1] =	stream.strided.gather [hbm4b:s16+s1], $0x200, s4, s1, $0x38;
	[tilespmem:$0x6A80] =	vst v63  }
0x2e: {  	s14 =	simm.s32 $0x1800  }
0x2f: {  	[tilespmem:s14], [sflag:$0x1] =	stream.strided.gather [hbm4b:s17+s1], $0x200, s4, s1, $0x38;
	[tilespmem:$0x6A80] =	vst v63  }
0x30: {  	s12 =	simm.s32 $0x1A00  }
0x31: {  	[tilespmem:s12], [sflag:$0x1] =	stream.strided.gather [hbm4b:s18+s1], $0x200, s4, s1, $0x38;
	[tilespmem:$0x6A80] =	vst v63  }
0x32: {  	s13 =	simm.s32 $0x1C00  }
0x33: {  	[tilespmem:s13], [sflag:$0x1] =	stream.strided.gather [hbm4b:s19+s1], $0x200, s4, s1, $0x38;
	[tilespmem:$0x6A80] =	vst v63  }
0x34: {  	s14 =	simm.s32 $0x1E00  }
0x35: {  	[tilespmem:s14], [sflag:$0x1] =	stream.strided.gather [hbm4b:s20+s1], $0x200, s4, s1, $0x38;
	[tilespmem:$0x6A80] =	vst v63  }
0x36: {  	s12 =	simm.s32 $0x2000  }
0x37: {  	[tilespmem:s12], [sflag:$0x1] =	stream.strided.gather [hbm4b:s21+s1], $0x200, s4, s1, $0x38;
	[tilespmem:$0x6A80] =	vst v63  }
0x38: {  	s13 =	simm.s32 $0x2200  }
0x39: {  	[tilespmem:s13], [sflag:$0x1] =	stream.strided.gather [hbm4b:s22+s1], $0x200, s4, s1, $0x38;
	[tilespmem:$0x6A80] =	vst v63  }
0x3a: {  	s14 =	simm.s32 $0x2400  }
0x3b: {  	[tilespmem:s14], [sflag:$0x1] =	stream.strided.gather [hbm4b:s24+s1], $0x200, s4, s1, $0x38;
	[tilespmem:$0x6A80] =	vst v63  }
0x3c: {  	s12 =	simm.s32 $0x2600  }
0x3d: {  	[tilespmem:s12], [sflag:$0x1] =	stream.strided.gather [hbm4b:s26+s1], $0x200, s4, s1, $0x38;
	[tilespmem:$0x6A80] =	vst v63  }
0x3e: {  	s13 =	simm.s32 $0x2800  }
0x3f: {  	[tilespmem:s13], [sflag:$0x1] =	stream.strided.gather [hbm4b:s28+s1], $0x200, s4, s1, $0x38;
	[tilespmem:$0x6A80] =	vst v63  }
0x40: {  	s14 =	simm.s32 $0x2A00  }
0x41: {  	[tilespmem:s14], [sflag:$0x1] =	stream.strided.gather [hbm4b:s29+s1], $0x200, s4, s1, $0x38;
	[tilespmem:$0x6A80] =	vst v63  }
0x42: {  	s12 =	simm.s32 $0x2C00  }
0x43: {  	[tilespmem:s12], [sflag:$0x1] =	stream.strided.gather [hbm4b:s30+s1], $0x200, s4, s1, $0x38;
	[tilespmem:$0x6A80] =	vst v63  }
0x44: {  	s13 =	simm.s32 $0x2E00  }
0x45: {  	[tilespmem:s13], [sflag:$0x1] =	stream.strided.gather [hbm4b:s31+s1], $0x200, s4, s1, $0x38;
	[tilespmem:$0x6A80] =	vst v63  }
0x46: {  	s14 =	simm.s32 $0x3000  }
0x47: {  	[tilespmem:s14], [sflag:$0x1] =	stream.strided.gather [hbm4b:s0+s1], $0x200, s4, s1, $0x38;
	[tilespmem:$0x6A80] =	vst v63  }
0x48: {  	s12 =	simm.s32 $0x3200  }
0x49: {  	[tilespmem:s12], [sflag:$0x1] =	stream.strided.gather [hbm4b:s2+s1], $0x200, s4, s1, $0x38;
	[tilespmem:$0x6A80] =	vst v63  }
0x4a: {  	_ =	swait.ge [sflag:s6], $0x200  }
0x4b: {  	[sflag:s6] =	ssyncset.done $0x0  }
0x4c: {  	[sflag:s6] =	ssyncadd.s32 $0xFFFFFE00  }
0x4d: {  	_ =	swait.ge [sflag:s6], $0x200  }
0x4e: {  	[sflag:s6] =	ssyncset.done $0x0  }
0x4f: {  	[sflag:s6] =	ssyncadd.s32 $0xFFFFFE00  }
0x50: {  	_ =	swait.ge [sflag:s6], $0x200  }
0x51: {  	[sflag:s6] =	ssyncset.done $0x0  }
0x52: {  	[sflag:s6] =	ssyncadd.s32 $0xFFFFFE00  }
0x53: {  	_ =	swait.ge [sflag:s6], $0x200  }
0x54: {  	[sflag:s6] =	ssyncset.done $0x0  }
0x55: {  	[sflag:s6] =	ssyncadd.s32 $0xFFFFFE00  }
0x56: {  	_ =	swait.ge [sflag:s6], $0x200  }
0x57: {  	[sflag:s6] =	ssyncset.done $0x0  }
0x58: {  	[sflag:s6] =	ssyncadd.s32 $0xFFFFFE00  }
0x59: {  	_ =	swait.ge [sflag:s6], $0x200  }
0x5a: {  	[sflag:s6] =	ssyncset.done $0x0  }
0x5b: {  	[sflag:s6] =	ssyncadd.s32 $0xFFFFFE00  }
0x5c: {  	_ =	swait.ge [sflag:s6], $0x200  }
0x5d: {  	[sflag:s6] =	ssyncset.done $0x0  }
0x5e: {  	[sflag:s6] =	ssyncadd.s32 $0xFFFFFE00  }
0x5f: {  	_ =	swait.ge [sflag:s6], $0x200  }
0x60: {  	[sflag:s6] =	ssyncset.done $0x0  }
0x61: {  	[sflag:s6] =	ssyncadd.s32 $0xFFFFFE00  }
0x62: {  	_ =	swait.ge [sflag:s6], $0x200  }
0x63: {  	[sflag:s6] =	ssyncset.done $0x0  }
0x64: {  	[sflag:s6] =	ssyncadd.s32 $0xFFFFFE00  }
0x65: {  	_ =	swait.ge [sflag:s6], $0x200  }
0x66: {  	[sflag:s6] =	ssyncset.done $0x0  }
0x67: {  	[sflag:s6] =	ssyncadd.s32 $0xFFFFFE00  }
0x68: {  	_ =	swait.ge [sflag:s6], $0x200  }
0x69: {  	[sflag:s6] =	ssyncset.done $0x0  }
0x6a: {  	[sflag:s6] =	ssyncadd.s32 $0xFFFFFE00  }
0x6b: {  	_ =	swait.ge [sflag:s6], $0x200  }
0x6c: {  	[sflag:s6] =	ssyncset.done $0x0  }
0x6d: {  	[sflag:s6] =	ssyncadd.s32 $0xFFFFFE00  }
0x6e: {  	_ =	swait.ge [sflag:s6], $0x200  }
0x6f: {  	[sflag:s6] =	ssyncset.done $0x0  }
0x70: {  	[sflag:s6] =	ssyncadd.s32 $0xFFFFFE00  }
0x71: {  	_ =	swait.ge [sflag:s6], $0x200  }
0x72: {  	[sflag:s6] =	ssyncset.done $0x0  }
0x73: {  	[sflag:s6] =	ssyncadd.s32 $0xFFFFFE00  }
0x74: {  	_ =	swait.ge [sflag:s6], $0x200  }
0x75: {  	[sflag:s6] =	ssyncset.done $0x0  }
0x76: {  	[sflag:s6] =	ssyncadd.s32 $0xFFFFFE00  }
0x77: {  	_ =	swait.ge [sflag:s6], $0x200  }
0x78: {  	[sflag:s6] =	ssyncset.done $0x0  }
0x79: {  	[sflag:s6] =	ssyncadd.s32 $0xFFFFFE00  }
0x7a: {  	_ =	swait.ge [sflag:s6], $0x200  }
0x7b: {  	[sflag:s6] =	ssyncset.done $0x0  }
0x7c: {  	[sflag:s6] =	ssyncadd.s32 $0xFFFFFE00  }
0x7d: {  	_ =	swait.ge [sflag:s6], $0x200  }
0x7e: {  	[sflag:s6] =	ssyncset.done $0x0  }
0x7f: {  	[sflag:s6] =	ssyncadd.s32 $0xFFFFFE00  }
0x80: {  	_ =	swait.ge [sflag:s6], $0x200  }
0x81: {  	[sflag:s6] =	ssyncset.done $0x0  }
0x82: {  	[sflag:s6] =	ssyncadd.s32 $0xFFFFFE00  }
0x83: {  	_ =	swait.ge [sflag:s6], $0x200  }
0x84: {  	[sflag:s6] =	ssyncset.done $0x0  }
0x85: {  	[sflag:s6] =	ssyncadd.s32 $0xFFFFFE00  }
0x86: {  	_ =	swait.ge [sflag:s6], $0x200  }
0x87: {  	[sflag:s6] =	ssyncset.done $0x0  }
0x88: {  	[sflag:s6] =	ssyncadd.s32 $0xFFFFFE00  }
0x89: {  	_ =	swait.ge [sflag:s6], $0x200  }
0x8a: {  	[sflag:s6] =	ssyncset.done $0x0  }
0x8b: {  	[sflag:s6] =	ssyncadd.s32 $0xFFFFFE00  }
0x8c: {  	_ =	swait.ge [sflag:s6], $0x200  }
0x8d: {  	[sflag:s6] =	ssyncset.done $0x0  }
0x8e: {  	[sflag:s6] =	ssyncadd.s32 $0xFFFFFE00  }
0x8f: {  	_ =	swait.ge [sflag:s6], $0x200  }
0x90: {  	[sflag:s6] =	ssyncset.done $0x0  }
0x91: {  	[sflag:s6] =	ssyncadd.s32 $0xFFFFFE00  }
0x92: {  	_ =	swait.ge [sflag:s6], $0x200  }
0x93: {  	[sflag:s6] =	ssyncset.done $0x0  }
0x94: {  	[sflag:s6] =	ssyncadd.s32 $0xFFFFFE00  }
0x95: {  	_ =	swait.ge [sflag:s6], $0x200  }
0x96: {  	[sflag:s6] =	ssyncset.done $0x0  }
0x97: {  	[sflag:s6] =	ssyncadd.s32 $0xFFFFFE00  }
0x98: {  	s11 =	simm.s32 $0x3400;
	s13 =	rddreg [dreg:$0x1]  }
0x99: {  	[tilespmem:s11], [sflag:$0x2] =	stream.indirect.gather [hbm4b:s13+s11], $0x1, s3, s11, $0xb8;
	[tilespmem:$0x6A80] =	vst v63  }
0x9a: {  	s14 =	rddreg [dreg:$0x5];
	s13 =	simm.s32 $0x6A00  }
0x9b: {  	[tilespmem:s13], [sflag:$0x3] =	stream.linear.gather [hbm4b:s14+s3], $0x80, $0x38;
	[tilespmem:$0x6A80] =	vst v63  }
0x9c: {  	_ =	swait.ge [sflag:s7], $0x80  }
0x9d: {  	[sflag:s7] =	ssyncset.done $0x0  }
0x9e: {  	[sflag:s7] =	ssyncadd.s32 $0xFFFFFF80  }
0x9f: {  	v0 =	vld [tilespmem:$0x6A00];
	_ =	swait.ge [sflag:s8], $0x3400  }
0xa0: {  	[sflag:s8] =	ssyncset.done $0x0  }
0xa1: {  	s13 =	sand.u32 $0x1F0, s3;
	[sflag:s8] =	ssyncadd.s32 $0xFFFFCC00  }
0xa2: {  	v1 =	vld [tilespmem:s13+$0x4E00];
	_ =	sdelay $0x1  }
0xa3: {  	v2 =	vld [tilespmem:s11+$0x0];
	_ =	sdelay $0x1  }
0xa4: {  	v3 =	vld [tilespmem:s13+$0x3600]  }
0xa5: {  	v4 =	vld [tilespmem:s13+$0x5000];
	v1 =	vadd.f32 v1, v0  }
0xa6: {  	v5 =	vld [tilespmem:s13+$0x3800]  }
0xa7: {  	v6 =	vld [tilespmem:s13+$0x3A00];
	v1 =	vadd.f32 v2, v1  }
0xa8: {  	v2 =	vld [tilespmem:s13+$0x5400]  }
0xa9: {  	v7 =	vld [tilespmem:s13+$0x3C00];
	v1 =	vadd.f32 v3, v1  }
0xaa: {  	v3 =	vld [tilespmem:s13+$0x5600]  }
0xab: {  	v51 =	vld [tilespmem:s13+$0x5800];
	v1 =	vadd.f32 v5, v1  }
0xac: {  	v8 =	vld [tilespmem:s13+$0x3E00]  }
0xad: {  	v52 =	vld [tilespmem:s13+$0x5A00];
	v2 =	vadd.f32 v2, v4;
	v1 =	vadd.f32 v6, v1  }
0xae: {  	v53 =	vld [tilespmem:s13+$0x4000]  }
0xaf: {  	v54 =	vld [tilespmem:s13+$0x4200];
	v2 =	vadd.f32 v3, v2;
	v1 =	vadd.f32 v7, v1  }
0xb0: {  	v3 =	vld [tilespmem:s13+$0x5C00]  }
0xb1: {  	v55 =	vld [tilespmem:s13+$0x5E00];
	v2 =	vadd.f32 v51, v2;
	v1 =	vadd.f32 v8, v1  }
0xb2: {  	v56 =	vld [tilespmem:s13+$0x4400]  }
0xb3: {  	v57 =	vld [tilespmem:s13+$0x6000];
	v2 =	vadd.f32 v52, v2;
	v1 =	vadd.f32 v53, v1  }
0xb4: {  	v58 =	vld [tilespmem:s13+$0x4600]  }
0xb5: {  	v59 =	vld [tilespmem:s13+$0x4800];
	v2 =	vadd.f32 v3, v2;
	v1 =	vadd.f32 v54, v1  }
0xb6: {  	v3 =	vld [tilespmem:s13+$0x6200]  }
0xb7: {  	v60 =	vld [tilespmem:s13+$0x6400];
	v2 =	vadd.f32 v55, v2;
	v1 =	vadd.f32 v56, v1  }
0xb8: {  	v61 =	vld [tilespmem:s13+$0x4A00]  }
0xb9: {  	v62 =	vld [tilespmem:s13+$0x6600];
	v2 =	vadd.f32 v57, v2;
	v1 =	vadd.f32 v58, v1  }
0xba: {  	v63 =	vld [tilespmem:s13+$0x4C00]  }
0xbb: {  	v2 =	vadd.f32 v3, v2;
	v1 =	vadd.f32 v59, v1;
	_ =	sdelay $0x1  }
0xbc: {  	v2 =	vadd.f32 v60, v2;
	v1 =	vadd.f32 v61, v1  }
0xbd: {  	v3 =	vld [tilespmem:s13+$0x5200]  }
0xbe: {  	v2 =	vadd.f32 v62, v2;
	v1 =	vadd.f32 v63, v1;
	_ =	sdelay $0x1  }
0xbf: {  	v1 =	vadd.f32 v1, v2;
	_ =	sdelay $0x1  }
0xc0: {  	v1 =	vadd.f32 v1, v3  }
0xc1: {  	s14 =	simm.s32 $0x10  }
0xc2: {  	s12 =	simm.s32 $0x6800;
	s13 =	sand.u32 $0x1F0, s14;
	s14 =	simm.s32 $0x20;
	[tilespmem:s9+$0x0] =	vst v1  }
.LBB2_2:
0xc3: {  	p0 =	sne.s32 s14, $0x1F0;
	v1 =	vld [tilespmem:s13+$0x4E00]  }
0xc4: {  	s11 =	sadd.s32 $0x10, s11  }
0xc5: {  	v2 =	vld [tilespmem:s11+$0x0];
	_ =	sdelay $0x1  }
0xc6: {  	v3 =	vld [tilespmem:s13+$0x3600]  }
0xc7: {  	v1 =	vadd.f32 v1, v0;
	v4 =	vld [tilespmem:s13+$0x5000]  }
0xc8: {  	v5 =	vld [tilespmem:s13+$0x3800]  }
0xc9: {  	v1 =	vadd.f32 v2, v1;
	v2 =	vld [tilespmem:s13+$0x5400]  }
0xca: {  	v6 =	vld [tilespmem:s13+$0x3A00]  }
0xcb: {  	v1 =	vadd.f32 v3, v1;
	v3 =	vld [tilespmem:s13+$0x5600]  }
0xcc: {  	v7 =	vld [tilespmem:s13+$0x3C00]  }
0xcd: {  	v1 =	vadd.f32 v5, v1;
	v5 =	vld [tilespmem:s13+$0x5800]  }
0xce: {  	v8 =	vld [tilespmem:s13+$0x3E00]  }
0xcf: {  	v2 =	vadd.f32 v2, v4;
	v1 =	vadd.f32 v6, v1;
	v4 =	vld [tilespmem:s13+$0x5A00]  }
0xd0: {  	v6 =	vld [tilespmem:s13+$0x4000]  }
0xd1: {  	v2 =	vadd.f32 v3, v2;
	v1 =	vadd.f32 v7, v1;
	v3 =	vld [tilespmem:s13+$0x5C00]  }
0xd2: {  	v7 =	vld [tilespmem:s13+$0x4200]  }
0xd3: {  	v2 =	vadd.f32 v5, v2;
	v1 =	vadd.f32 v8, v1;
	v5 =	vld [tilespmem:s13+$0x5E00]  }
0xd4: {  	v8 =	vld [tilespmem:s13+$0x4400]  }
0xd5: {  	v2 =	vadd.f32 v4, v2;
	v1 =	vadd.f32 v6, v1;
	v4 =	vld [tilespmem:s13+$0x6000]  }
0xd6: {  	v6 =	vld [tilespmem:s13+$0x4600]  }
0xd7: {  	v2 =	vadd.f32 v3, v2;
	v1 =	vadd.f32 v7, v1;
	v3 =	vld [tilespmem:s13+$0x6200]  }
0xd8: {  	v7 =	vld [tilespmem:s13+$0x4800]  }
0xd9: {  	v2 =	vadd.f32 v5, v2;
	v1 =	vadd.f32 v8, v1;
	v5 =	vld [tilespmem:s13+$0x6400]  }
0xda: {  	v8 =	vld [tilespmem:s13+$0x4A00]  }
0xdb: {  	v2 =	vadd.f32 v4, v2;
	v1 =	vadd.f32 v6, v1;
	v4 =	vld [tilespmem:s13+$0x6600]  }
0xdc: {  	v6 =	vld [tilespmem:s13+$0x4C00]  }
0xdd: {  	v2 =	vadd.f32 v3, v2;
	v1 =	vadd.f32 v7, v1;
	_ =	sdelay $0x1  }
0xde: {  	v2 =	vadd.f32 v5, v2;
	v1 =	vadd.f32 v8, v1  }
0xdf: {  	v3 =	vld [tilespmem:s13+$0x5200]  }
0xe0: {  	v2 =	vadd.f32 v4, v2;
	v1 =	vadd.f32 v6, v1;
	_ =	sdelay $0x1  }
.Ltmp0:
0xe1: {  	v1 =	vadd.f32 v1, v2;
	(pc) =	sbr.rel @p0 .LBB2_2-.Ltmp0, $4  }
0xe2: {  	_ = 	snop  }
0xe3: {  	v1 =	vadd.f32 v1, v3  }
0xe4: {  	s12 =	sadd.s32 $0x10, s12  }
0xe5: {  	s13 =	sand.u32 $0x1F0, s14;
	s14 =	sadd.s32 $0x10, s14;
	[tilespmem:s12+$0x0] =	vst v1  }
0xe6: {  	v1 =	vld [tilespmem:s13+$0x4E00]  }
0xe7: {  	s11 =	sadd.s32 $0x10, s11  }
0xe8: {  	v2 =	vld [tilespmem:s11+$0x0];
	_ =	sdelay $0x1  }
0xe9: {  	v3 =	vld [tilespmem:s13+$0x3600]  }
0xea: {  	v45 =	vld [tilespmem:s13+$0x5000];
	v0 =	vadd.f32 v1, v0  }
0xeb: {  	v4 =	vld [tilespmem:s13+$0x3800]  }
0xec: {  	v46 =	vld [tilespmem:s13+$0x5400];
	v0 =	vadd.f32 v2, v0  }
0xed: {  	v5 =	vld [tilespmem:s13+$0x3A00]  }
0xee: {  	v47 =	vld [tilespmem:s13+$0x5600];
	v0 =	vadd.f32 v3, v0  }
0xef: {  	v6 =	vld [tilespmem:s13+$0x3C00]  }
0xf0: {  	v48 =	vld [tilespmem:s13+$0x5800];
	v0 =	vadd.f32 v4, v0  }
0xf1: {  	v7 =	vld [tilespmem:s13+$0x3E00]  }
0xf2: {  	v49 =	vld [tilespmem:s13+$0x5A00];
	v1 =	vadd.f32 v46, v45;
	v0 =	vadd.f32 v5, v0  }
0xf3: {  	v50 =	vld [tilespmem:s13+$0x4000]  }
0xf4: {  	v51 =	vld [tilespmem:s13+$0x5C00];
	v1 =	vadd.f32 v47, v1;
	v0 =	vadd.f32 v6, v0  }
0xf5: {  	v52 =	vld [tilespmem:s13+$0x4200]  }
0xf6: {  	v53 =	vld [tilespmem:s13+$0x5E00];
	v1 =	vadd.f32 v48, v1;
	v0 =	vadd.f32 v7, v0  }
0xf7: {  	v54 =	vld [tilespmem:s13+$0x4400]  }
0xf8: {  	v55 =	vld [tilespmem:s13+$0x6000];
	v1 =	vadd.f32 v49, v1;
	v0 =	vadd.f32 v50, v0  }
0xf9: {  	v56 =	vld [tilespmem:s13+$0x4600]  }
0xfa: {  	v57 =	vld [tilespmem:s13+$0x6200];
	v1 =	vadd.f32 v51, v1;
	v0 =	vadd.f32 v52, v0  }
0xfb: {  	v58 =	vld [tilespmem:s13+$0x4800]  }
0xfc: {  	v59 =	vld [tilespmem:s13+$0x6400];
	v1 =	vadd.f32 v53, v1;
	v0 =	vadd.f32 v54, v0  }
0xfd: {  	v60 =	vld [tilespmem:s13+$0x4A00]  }
0xfe: {  	v61 =	vld [tilespmem:s13+$0x6600];
	v1 =	vadd.f32 v55, v1;
	v0 =	vadd.f32 v56, v0  }
0xff: {  	v62 =	vld [tilespmem:s13+$0x4C00]  }
0x100: {  	v1 =	vadd.f32 v57, v1;
	v0 =	vadd.f32 v58, v0;
	_ =	sdelay $0x1  }
0x101: {  	v1 =	vadd.f32 v59, v1;
	v0 =	vadd.f32 v60, v0  }
0x102: {  	v63 =	vld [tilespmem:s13+$0x5200]  }
0x103: {  	v1 =	vadd.f32 v61, v1;
	v0 =	vadd.f32 v62, v0;
	_ =	sdelay $0x1  }
0x104: {  	v0 =	vadd.f32 v0, v1;
	_ =	sdelay $0x1  }
0x105: {  	s10 =	sadd.s32 $0x1, s10;
	v0 =	vadd.f32 v0, v63  }
0x106: {  	s14 =	sadd.s32 $0x10, s12;
	p0 =	sne.s32 s10, s25  }
.Ltmp1:
0x107: {  	[tilespmem:s14+$0x0] =	vst v0;
	(pc) =	sbr.rel @p0 .LBB2_1-.Ltmp1, $4  }
0x108: {  	[hbm4b:s23+s3] =	stream.linear.scatter [tilespmem:s9], [sflag:$0x3], $0x200, $0x38;
	[tilespmem:$0x6A80] =	vst v63  }
0x109: {  	_ =	swait.ge [sflag:s7], $0x200  }
0x10a: {  	[sflag:s7] =	ssyncset.done $0x0  }
0x10b: {  	[sflag:s7] =	ssyncadd.s32 $0xFFFFFE00  }
0x10c: {  	_ =	sfence.sel $0x180000  }
0x10d: {  	[bflag:$0x0] =	sbarrier.arrive $0xFFFF  }
0x10e: {  	_ =	strace $0x90000047  }
0x10f: {  	s0 =	stileid.u32;
	[bflag:$0x2] =	sbarrier.arrive $0xFFFF  }
0x110: {  	p0 =	sne.s32 s0, $0x0;
	s0 =	rddreg [dreg:$0x4]  }
0x111: {  	s0 =	sadd.s32 @!p0 $0x100000, s0  }
0x112: {  	[sflag:s0] =	ssyncadd.tile.s32 @!p0 $0x1;
	_ =	shalt  }
.Lfunc_end2:
_tile_overlayer_lowered:
.L_overlay_start_2:
0x113: {  	(tag) =	ssettag $0x2  }
0x114: {  	s0 =	rddreg [dreg:$0x0];
	s2 =	stileid.u32  }
0x115: {  	s1 =	rddreg [dreg:$0x1];
	p0 =	sne.s32 s2, $0x0  }
0x116: {  	s3 =	rddreg [dreg:$0x2];
	[bflag:$0x3] =	sbarrier.arrive $0xFFFF;
	s2 =	simm.s32 @!p0 $0x1C03  }
0x117: {  	[timem:s3], [sflag:s2] =	dma.local @!p0 [hbm:s0], s1  }
0x118: {  	s0 =	simm.s32 @!p0 $0x3  }
0x119: {  	_ =	swait.ge @!p0 [sflag:s0], s1  }
0x11a: {  	s1 =	ssub.s32 @!p0 $0x0, s1;
	[sflag:s0] =	ssyncset.done @!p0 $0x0  }
0x11b: {  	[sflag:s0] =	ssyncadd.s32 @!p0 s1  }
0x11c: {  	[bflag:$0x3] =	sbarrier.arrive $0xFFFF  }
0x11d: {  	_ =	shalt  }

</sc_bundles>
